<compile_context>
chip_gen: v7x
topology: tpu7x:2x2x1
jax: 0.10.2.dev20260603
libtpu: 0.0.44.dev20260713+nightly
codegen_flags: <defaults>
</compile_context>

<pallas_src>
import functools

import jax
import jax.numpy as jnp
from jax import lax
from jax.experimental import pallas as pl
from jax.experimental.pallas import tpu as pltpu
from jax.experimental.pallas import tpu_sc as plsc

B = 4096
S = 200
D = 64
C = 16
V = 1000001
CH = 40
CPB = S // CH
NC = 2
NS = 16
NW = NC * NS
BPW = B // NW

G = 16
BV = 32768
NBLK = -(-V // BV)
VP = NBLK * BV
SB = BV // G
LOG_SB = SB.bit_length() - 1


def _project(tableT, W):
    def body(t_ref, w_ref, o_ref):
        acc2 = lax.dot_general(
            w_ref[...], t_ref[...], (((1,), (0,)), ((), ())),
            preferred_element_type=jnp.float32)
        accg = jnp.concatenate(
            [acc2[:, SB * j:SB * (j + 1)] for j in range(G)], axis=0)
        accT = accg.T
        o_ref[0:SB, :] = accT[:, 0:128]
        o_ref[SB:2 * SB, :] = accT[:, 128:256]

    ws = W * (1.0 / S)
    return pl.pallas_call(
        body,
        grid=(NBLK,),
        in_specs=[
            pl.BlockSpec((D, BV), lambda i: (0, i)),
            pl.BlockSpec((C, D), lambda i: (0, 0)),
        ],
        out_specs=pl.BlockSpec((2 * SB, 128), lambda i: (i, 0)),
        out_shape=jax.ShapeDtypeStruct((VP // 8, 128), jnp.float32),
    )(tableT, ws)


def _remap(v):
    return (v & -(8 * SB)) + ((v & (SB - 1)) << 3) + ((v >> LOG_SB) & 7)


def _sc_pool(x, proj, b2):
    mesh = plsc.VectorSubcoreMesh(
        core_axis_name="c", subcore_axis_name="s",
        num_cores=NC, num_subcores=NS)

    @functools.partial(
        pl.kernel,
        out_type=jax.ShapeDtypeStruct((B, C), jnp.float32),
        mesh=mesh,
        scratch_types=[
            pltpu.VMEM((BPW, S), jnp.int32),
            pltpu.VMEM((S, C), jnp.float32),
            pltpu.VMEM((S, C), jnp.float32),
            pltpu.VMEM((S, C), jnp.float32),
            pltpu.VMEM((S, C), jnp.float32),
            pltpu.VMEM((BPW, C), jnp.float32),
            pltpu.VMEM((1, C), jnp.float32),
            pltpu.SemaphoreType.DMA,
            pltpu.SemaphoreType.DMA,
            pltpu.SemaphoreType.DMA,
            pltpu.SemaphoreType.DMA,
        ],
        compiler_params=pltpu.CompilerParams(use_tc_tiling_on_sc=False),
    )
    def k(x_hbm, proj_hbm, b_hbm, out_hbm, idx_v, buf0, buf1, buf2, buf3,
          out_v, b_v, sem0, sem1, sem2, sem3):
        wid = lax.axis_index("s") * NC + lax.axis_index("c")
        zero = jnp.zeros((16,), jnp.float32)
        pltpu.sync_copy(b_hbm, b_v)
        pltpu.sync_copy(x_hbm.at[pl.ds(wid * BPW, BPW)], idx_v)
        bias = b_v[0, pl.ds(0, 16)]

        lane = lax.iota(jnp.int32, 16)

        def scale_row(r, carry):
            for c in range(0, S - 16, 16):
                idx_v[r, pl.ds(c, 16)] = _remap(idx_v[r, pl.ds(c, 16)])
            t = idx_v[r, pl.ds(S - 16, 16)]
            idx_v[r, pl.ds(S - 16, 16)] = jnp.where(lane < 8, t, _remap(t))
            return carry

        lax.fori_loop(0, BPW, scale_row, 0)

        def fire(i, buf, sem):
            for j in range(CPB):
                pltpu.async_copy(proj_hbm.at[idx_v.at[i, pl.ds(CH * j, CH)]],
                                 buf.at[pl.ds(CH * j, CH)], sem)

        def drain(buf, sem):
            pltpu.make_async_copy(proj_hbm.at[pl.ds(0, S)], buf, sem).wait()

        def acc_row(i, buf):
            def tok(s, acc):
                return acc + buf[s, pl.ds(0, 16)]
            a = lax.fori_loop(0, S, tok, zero, unroll=8)
            out_v[i, pl.ds(0, 16)] = a + bias

        bufs = (buf0, buf1, buf2, buf3)
        sems = (sem0, sem1, sem2, sem3)
        for k in range(3):
            fire(k, bufs[k], sems[k])

        def quad(p, carry):
            i0 = 4 * p
            for k in range(4):
                nxt = i0 + k + 3
                sl = (k + 3) % 4

                @pl.when(nxt < BPW)
                def _():
                    fire(nxt, bufs[sl], sems[sl])
                drain(bufs[k], sems[k])
                acc_row(i0 + k, bufs[k])
            return carry

        lax.fori_loop(0, BPW // 4, quad, 0)
        pltpu.sync_copy(out_v, out_hbm.at[pl.ds(wid * BPW, BPW)])

    return k(x, proj, b2)


def kernel(x, table, W, b):
    proj_pad = _project(jnp.swapaxes(table, 0, 1), W)
    proj = proj_pad.reshape(VP, C)
    return _sc_pool(x, proj, b.reshape(1, C))

# --- scband reference (transcript-rebuilt; emitter-appended) ---
"""Pipeline reference for scband-word-averaging-linear-28484223107211 (READ-ONLY COPY).

The authoritative reference and input builder live on the scoring server;
editing this copy changes nothing except your own understanding.
"""

import jax, jax.numpy as jnp
import numpy as np

VOCAB_SIZE = 1000000
EMB_DIM = 64
NUM_CLASSES = 16
BATCH = 4096
SEQ = 200

def setup_inputs(seed: int = 0):
    key = jax.random.key(seed)
    k1, k2, k3 = jax.random.split(key, 3)
    # nn.Embedding(vocab_size + 1, emb_dim, padding_idx=0), xavier_uniform init
    bound = np.sqrt(6.0 / (VOCAB_SIZE + 1 + EMB_DIM))
    table = jax.random.uniform(k1, (VOCAB_SIZE + 1, EMB_DIM), dtype=jnp.float32, minval=-bound, maxval=bound)
    table = table.at[0].set(0.0)  # padding_idx=0
    # nn.Linear(emb_dim, num_classes), xavier_normal weight, zero bias
    std = np.sqrt(2.0 / (EMB_DIM + NUM_CLASSES))
    W = jax.random.normal(k2, (NUM_CLASSES, EMB_DIM), dtype=jnp.float32) * std
    b = jnp.zeros((NUM_CLASSES,), dtype=jnp.float32)
    x = jax.random.randint(k3, (BATCH, SEQ), 0, VOCAB_SIZE + 1, dtype=jnp.int32)
    return {"x": x, "table": table, "W": W, "b": b}

def reference(x, table, W, b):
    # self.embedding(x).mean(1)
    emb = jnp.take(table, x, axis=0)           # [B, S, D] gather
    x_h = emb.mean(axis=1)                     # [B, D]
    # self.out(x_h)
    out = x_h @ W.T + b                        # [B, num_classes]
    return out

if __name__ == "__main__":
    import jax
    _d = setup_inputs()
    print(jax.jit(kernel)(*tuple(_d.values())))

</pallas_src>

<mosaic_0001>
#map = affine_map<(d0, d1) -> (0, 0)>
module attributes {stable_mosaic.version = 14 : i64} {
  func.func @k(%arg0: i32, %arg1: i32, %arg2: memref<4096x200xi32, #tpu.memory_space<hbm>>, %arg3: memref<1015808x16xf32, #tpu.memory_space<hbm>>, %arg4: memref<1x16xf32, #tpu.memory_space<hbm>>, %arg5: memref<4096x16xf32, #tpu.memory_space<hbm>>, %arg6: memref<128x200xi32, #tpu.memory_space<vmem>>, %arg7: memref<200x16xf32, #tpu.memory_space<vmem>>, %arg8: memref<200x16xf32, #tpu.memory_space<vmem>>, %arg9: memref<200x16xf32, #tpu.memory_space<vmem>>, %arg10: memref<200x16xf32, #tpu.memory_space<vmem>>, %arg11: memref<128x16xf32, #tpu.memory_space<vmem>>, %arg12: memref<1x16xf32, #tpu.memory_space<vmem>>, %arg13: memref<!tpu.dma_semaphore, #tpu.memory_space<semaphore_mem>>, %arg14: memref<!tpu.dma_semaphore, #tpu.memory_space<semaphore_mem>>, %arg15: memref<!tpu.dma_semaphore, #tpu.memory_space<semaphore_mem>>, %arg16: memref<!tpu.dma_semaphore, #tpu.memory_space<semaphore_mem>>) attributes {dimension_semantics = [#tpu.dimension_semantics<core_parallel>, #tpu.dimension_semantics<subcore_parallel>], iteration_bounds = array<i64: 2, 16>, scalar_prefetch = 0 : i64, scratch_operands = 11 : i64, tpu.core_type = #tpu.core_type<sc_vector_subcore>, window_params = [{transform_indices = #map}, {transform_indices = #map}, {transform_indices = #map}, {transform_indices = #map}]} {
    %mul3A = arith.constant 2 : i32
    %mul3A_0 = arith.muli %arg1, %mul3A : i32
    %add3A = arith.addi %mul3A_0, %arg0 : i32
    %broadcast_in_dim3A = arith.constant 0.000000e+00 : f32
    %broadcast_in_dim3A_1 = vector.broadcast %broadcast_in_dim3A : f32 to vector<16xf32>
    "tpu.region"() ({
      %run_scoped3A = tpu.sem_alloc : memref<!tpu.dma_semaphore, #tpu.memory_space<semaphore_mem>>
      tpu.enqueue_dma source(%arg4 : memref<1x16xf32, #tpu.memory_space<hbm>>) target(%arg12 : memref<1x16xf32, #tpu.memory_space<vmem>>) target_semaphore(%run_scoped3A : memref<!tpu.dma_semaphore, #tpu.memory_space<semaphore_mem>>)
      tpu.wait_dma2 semaphore(%run_scoped3A : memref<!tpu.dma_semaphore, #tpu.memory_space<semaphore_mem>>) src(%arg4 : memref<1x16xf32, #tpu.memory_space<hbm>>) dst(%arg12 : memref<1x16xf32, #tpu.memory_space<vmem>>)
      tpu.yield
    }) : () -> ()
    %mul3A_2 = arith.constant 128 : i32
    %mul3A_3 = arith.muli %add3A, %mul3A_2 : i32
    "tpu.region"() ({
      %run_scoped3A = tpu.sem_alloc : memref<!tpu.dma_semaphore, #tpu.memory_space<semaphore_mem>>
      %dma_start3A_170 = arith.constant 0 : i32
      %dma_start3A_171 = tpu.memref_slice %arg2[%mul3A_3, %dma_start3A_170] : memref<4096x200xi32, #tpu.memory_space<hbm>> -> memref<128x200xi32, #tpu.memory_space<hbm>>
      %dma_start3A_172 = arith.constant 0 : i32
      %dma_start3A_173 = tpu.memref_slice %arg2[%mul3A_3, %dma_start3A_172] : memref<4096x200xi32, #tpu.memory_space<hbm>> -> memref<128x200xi32, #tpu.memory_space<hbm>>
      tpu.enqueue_dma source(%dma_start3A_173 : memref<128x200xi32, #tpu.memory_space<hbm>>) target(%arg6 : memref<128x200xi32, #tpu.memory_space<vmem>>) target_semaphore(%run_scoped3A : memref<!tpu.dma_semaphore, #tpu.memory_space<semaphore_mem>>)
      %dma_wait3A = arith.constant 0 : i32
      %dma_wait3A_174 = tpu.memref_slice %arg2[%mul3A_3, %dma_wait3A] : memref<4096x200xi32, #tpu.memory_space<hbm>> -> memref<128x200xi32, #tpu.memory_space<hbm>>
      %dma_wait3A_175 = arith.constant 0 : i32
      %dma_wait3A_176 = tpu.memref_slice %arg2[%mul3A_3, %dma_wait3A_175] : memref<4096x200xi32, #tpu.memory_space<hbm>> -> memref<128x200xi32, #tpu.memory_space<hbm>>
      tpu.wait_dma2 semaphore(%run_scoped3A : memref<!tpu.dma_semaphore, #tpu.memory_space<semaphore_mem>>) src(%dma_wait3A_176 : memref<128x200xi32, #tpu.memory_space<hbm>>) dst(%arg6 : memref<128x200xi32, #tpu.memory_space<vmem>>)
      tpu.yield
    }) : () -> ()
    %get3A = arith.constant 0 : i32
    %get3A_4 = arith.index_cast %get3A : i32 to index
    %get3A_5 = arith.constant 0 : index
    %get3A_6 = tpu.vector_load %arg12[%get3A_4, %get3A_5] {strides = array<i32>} : memref<1x16xf32, #tpu.memory_space<vmem>>, vector<1x16xf32>,
    %get3A_7 = vector.shape_cast %get3A_6 : vector<1x16xf32> to vector<16xf32>
    %iota3A = tpu.iota {dimensions = array<i32: 0>} : vector<16xi32>
    %scan3A = arith.constant 0 : i32
    %scan3A_8 = arith.constant 0 : i32
    %scan3A_9 = arith.constant 128 : i32
    %scan3A_10 = arith.addi %scan3A_8, %scan3A_9 : i32
    %scan3A_11 = arith.constant 1 : i32
    scf.for %scan3A_170 = %scan3A_8 to %scan3A_10 step %scan3A_11  : i32 {
      %get3A_171 = arith.index_cast %scan3A_170 : i32 to index
      %get3A_172 = arith.constant 0 : index
      %get3A_173 = tpu.vector_load %arg6[%get3A_171, %get3A_172] {strides = array<i32>} : memref<128x200xi32, #tpu.memory_space<vmem>>, vector<1x16xi32>,
      %get3A_174 = vector.shape_cast %get3A_173 : vector<1x16xi32> to vector<16xi32>
      %and3A = arith.constant -16384 : i32
      %and3A_175 = vector.broadcast %and3A : i32 to vector<16xi32>
      %and3A_176 = arith.andi %get3A_174, %and3A_175 : vector<16xi32>
      %and3A_177 = arith.constant 2047 : i32
      %and3A_178 = vector.broadcast %and3A_177 : i32 to vector<16xi32>
      %and3A_179 = arith.andi %get3A_174, %and3A_178 : vector<16xi32>
      %shift_left3A = arith.constant 3 : i32
      %shift_left3A_180 = vector.broadcast %shift_left3A : i32 to vector<16xi32>
      %shift_left3A_181 = arith.shli %and3A_179, %shift_left3A_180 : vector<16xi32>
      %add3A_182 = arith.addi %and3A_176, %shift_left3A_181 : vector<16xi32>
      %shift_right_arithmetic3A = arith.constant 11 : i32
      %shift_right_arithmetic3A_183 = vector.broadcast %shift_right_arithmetic3A : i32 to vector<16xi32>
      %shift_right_arithmetic3A_184 = arith.shrsi %get3A_174, %shift_right_arithmetic3A_183 : vector<16xi32>
      %and3A_185 = arith.constant 7 : i32
      %and3A_186 = vector.broadcast %and3A_185 : i32 to vector<16xi32>
      %and3A_187 = arith.andi %shift_right_arithmetic3A_184, %and3A_186 : vector<16xi32>
      %add3A_188 = arith.addi %add3A_182, %and3A_187 : vector<16xi32>
      %swap3A = arith.index_cast %scan3A_170 : i32 to index
      %swap3A_189 = arith.constant 0 : index
      %swap3A_190 = tpu.vector_load %arg6[%swap3A, %swap3A_189] {strides = array<i32>} : memref<128x200xi32, #tpu.memory_space<vmem>>, vector<1x16xi32>,
      %swap3A_191 = vector.shape_cast %swap3A_190 : vector<1x16xi32> to vector<16xi32>
      %swap3A_192 = vector.shape_cast %add3A_188 : vector<16xi32> to vector<1x16xi32>
      tpu.vector_store %arg6[%swap3A, %swap3A_189], %swap3A_192 {strides = array<i32>} : memref<128x200xi32, #tpu.memory_space<vmem>>, vector<1x16xi32>,
      %get3A_193 = arith.index_cast %scan3A_170 : i32 to index
      %get3A_194 = arith.constant 16 : index
      %get3A_195 = tpu.vector_load %arg6[%get3A_193, %get3A_194] {strides = array<i32>} : memref<128x200xi32, #tpu.memory_space<vmem>>, vector<1x16xi32>,
      %get3A_196 = vector.shape_cast %get3A_195 : vector<1x16xi32> to vector<16xi32>
      %and3A_197 = arith.constant -16384 : i32
      %and3A_198 = vector.broadcast %and3A_197 : i32 to vector<16xi32>
      %and3A_199 = arith.andi %get3A_196, %and3A_198 : vector<16xi32>
      %and3A_200 = arith.constant 2047 : i32
      %and3A_201 = vector.broadcast %and3A_200 : i32 to vector<16xi32>
      %and3A_202 = arith.andi %get3A_196, %and3A_201 : vector<16xi32>
      %shift_left3A_203 = arith.constant 3 : i32
      %shift_left3A_204 = vector.broadcast %shift_left3A_203 : i32 to vector<16xi32>
      %shift_left3A_205 = arith.shli %and3A_202, %shift_left3A_204 : vector<16xi32>
      %add3A_206 = arith.addi %and3A_199, %shift_left3A_205 : vector<16xi32>
      %shift_right_arithmetic3A_207 = arith.constant 11 : i32
      %shift_right_arithmetic3A_208 = vector.broadcast %shift_right_arithmetic3A_207 : i32 to vector<16xi32>
      %shift_right_arithmetic3A_209 = arith.shrsi %get3A_196, %shift_right_arithmetic3A_208 : vector<16xi32>
      %and3A_210 = arith.constant 7 : i32
      %and3A_211 = vector.broadcast %and3A_210 : i32 to vector<16xi32>
      %and3A_212 = arith.andi %shift_right_arithmetic3A_209, %and3A_211 : vector<16xi32>
      %add3A_213 = arith.addi %add3A_206, %and3A_212 : vector<16xi32>
      %swap3A_214 = arith.index_cast %scan3A_170 : i32 to index
      %swap3A_215 = arith.constant 16 : index
      %swap3A_216 = tpu.vector_load %arg6[%swap3A_214, %swap3A_215] {strides = array<i32>} : memref<128x200xi32, #tpu.memory_space<vmem>>, vector<1x16xi32>,
      %swap3A_217 = vector.shape_cast %swap3A_216 : vector<1x16xi32> to vector<16xi32>
      %swap3A_218 = vector.shape_cast %add3A_213 : vector<16xi32> to vector<1x16xi32>
      tpu.vector_store %arg6[%swap3A_214, %swap3A_215], %swap3A_218 {strides = array<i32>} : memref<128x200xi32, #tpu.memory_space<vmem>>, vector<1x16xi32>,
      %get3A_219 = arith.index_cast %scan3A_170 : i32 to index
      %get3A_220 = arith.constant 32 : index
      %get3A_221 = tpu.vector_load %arg6[%get3A_219, %get3A_220] {strides = array<i32>} : memref<128x200xi32, #tpu.memory_space<vmem>>, vector<1x16xi32>,
      %get3A_222 = vector.shape_cast %get3A_221 : vector<1x16xi32> to vector<16xi32>
      %and3A_223 = arith.constant -16384 : i32
      %and3A_224 = vector.broadcast %and3A_223 : i32 to vector<16xi32>
      %and3A_225 = arith.andi %get3A_222, %and3A_224 : vector<16xi32>
      %and3A_226 = arith.constant 2047 : i32
      %and3A_227 = vector.broadcast %and3A_226 : i32 to vector<16xi32>
      %and3A_228 = arith.andi %get3A_222, %and3A_227 : vector<16xi32>
      %shift_left3A_229 = arith.constant 3 : i32
      %shift_left3A_230 = vector.broadcast %shift_left3A_229 : i32 to vector<16xi32>
      %shift_left3A_231 = arith.shli %and3A_228, %shift_left3A_230 : vector<16xi32>
      %add3A_232 = arith.addi %and3A_225, %shift_left3A_231 : vector<16xi32>
      %shift_right_arithmetic3A_233 = arith.constant 11 : i32
      %shift_right_arithmetic3A_234 = vector.broadcast %shift_right_arithmetic3A_233 : i32 to vector<16xi32>
      %shift_right_arithmetic3A_235 = arith.shrsi %get3A_222, %shift_right_arithmetic3A_234 : vector<16xi32>
      %and3A_236 = arith.constant 7 : i32
      %and3A_237 = vector.broadcast %and3A_236 : i32 to vector<16xi32>
      %and3A_238 = arith.andi %shift_right_arithmetic3A_235, %and3A_237 : vector<16xi32>
      %add3A_239 = arith.addi %add3A_232, %and3A_238 : vector<16xi32>
      %swap3A_240 = arith.index_cast %scan3A_170 : i32 to index
      %swap3A_241 = arith.constant 32 : index
      %swap3A_242 = tpu.vector_load %arg6[%swap3A_240, %swap3A_241] {strides = array<i32>} : memref<128x200xi32, #tpu.memory_space<vmem>>, vector<1x16xi32>,
      %swap3A_243 = vector.shape_cast %swap3A_242 : vector<1x16xi32> to vector<16xi32>
      %swap3A_244 = vector.shape_cast %add3A_239 : vector<16xi32> to vector<1x16xi32>
      tpu.vector_store %arg6[%swap3A_240, %swap3A_241], %swap3A_244 {strides = array<i32>} : memref<128x200xi32, #tpu.memory_space<vmem>>, vector<1x16xi32>,
      %get3A_245 = arith.index_cast %scan3A_170 : i32 to index
      %get3A_246 = arith.constant 48 : index
      %get3A_247 = tpu.vector_load %arg6[%get3A_245, %get3A_246] {strides = array<i32>} : memref<128x200xi32, #tpu.memory_space<vmem>>, vector<1x16xi32>,
      %get3A_248 = vector.shape_cast %get3A_247 : vector<1x16xi32> to vector<16xi32>
      %and3A_249 = arith.constant -16384 : i32
      %and3A_250 = vector.broadcast %and3A_249 : i32 to vector<16xi32>
      %and3A_251 = arith.andi %get3A_248, %and3A_250 : vector<16xi32>
      %and3A_252 = arith.constant 2047 : i32
      %and3A_253 = vector.broadcast %and3A_252 : i32 to vector<16xi32>
      %and3A_254 = arith.andi %get3A_248, %and3A_253 : vector<16xi32>
      %shift_left3A_255 = arith.constant 3 : i32
      %shift_left3A_256 = vector.broadcast %shift_left3A_255 : i32 to vector<16xi32>
      %shift_left3A_257 = arith.shli %and3A_254, %shift_left3A_256 : vector<16xi32>
      %add3A_258 = arith.addi %and3A_251, %shift_left3A_257 : vector<16xi32>
      %shift_right_arithmetic3A_259 = arith.constant 11 : i32
      %shift_right_arithmetic3A_260 = vector.broadcast %shift_right_arithmetic3A_259 : i32 to vector<16xi32>
      %shift_right_arithmetic3A_261 = arith.shrsi %get3A_248, %shift_right_arithmetic3A_260 : vector<16xi32>
      %and3A_262 = arith.constant 7 : i32
      %and3A_263 = vector.broadcast %and3A_262 : i32 to vector<16xi32>
      %and3A_264 = arith.andi %shift_right_arithmetic3A_261, %and3A_263 : vector<16xi32>
      %add3A_265 = arith.addi %add3A_258, %and3A_264 : vector<16xi32>
      %swap3A_266 = arith.index_cast %scan3A_170 : i32 to index
      %swap3A_267 = arith.constant 48 : index
      %swap3A_268 = tpu.vector_load %arg6[%swap3A_266, %swap3A_267] {strides = array<i32>} : memref<128x200xi32, #tpu.memory_space<vmem>>, vector<1x16xi32>,
      %swap3A_269 = vector.shape_cast %swap3A_268 : vector<1x16xi32> to vector<16xi32>
      %swap3A_270 = vector.shape_cast %add3A_265 : vector<16xi32> to vector<1x16xi32>
      tpu.vector_store %arg6[%swap3A_266, %swap3A_267], %swap3A_270 {strides = array<i32>} : memref<128x200xi32, #tpu.memory_space<vmem>>, vector<1x16xi32>,
      %get3A_271 = arith.index_cast %scan3A_170 : i32 to index
      %get3A_272 = arith.constant 64 : index
      %get3A_273 = tpu.vector_load %arg6[%get3A_271, %get3A_272] {strides = array<i32>} : memref<128x200xi32, #tpu.memory_space<vmem>>, vector<1x16xi32>,
      %get3A_274 = vector.shape_cast %get3A_273 : vector<1x16xi32> to vector<16xi32>
      %and3A_275 = arith.constant -16384 : i32
      %and3A_276 = vector.broadcast %and3A_275 : i32 to vector<16xi32>
      %and3A_277 = arith.andi %get3A_274, %and3A_276 : vector<16xi32>
      %and3A_278 = arith.constant 2047 : i32
      %and3A_279 = vector.broadcast %and3A_278 : i32 to vector<16xi32>
      %and3A_280 = arith.andi %get3A_274, %and3A_279 : vector<16xi32>
      %shift_left3A_281 = arith.constant 3 : i32
      %shift_left3A_282 = vector.broadcast %shift_left3A_281 : i32 to vector<16xi32>
      %shift_left3A_283 = arith.shli %and3A_280, %shift_left3A_282 : vector<16xi32>
      %add3A_284 = arith.addi %and3A_277, %shift_left3A_283 : vector<16xi32>
      %shift_right_arithmetic3A_285 = arith.constant 11 : i32
      %shift_right_arithmetic3A_286 = vector.broadcast %shift_right_arithmetic3A_285 : i32 to vector<16xi32>
      %shift_right_arithmetic3A_287 = arith.shrsi %get3A_274, %shift_right_arithmetic3A_286 : vector<16xi32>
      %and3A_288 = arith.constant 7 : i32
      %and3A_289 = vector.broadcast %and3A_288 : i32 to vector<16xi32>
      %and3A_290 = arith.andi %shift_right_arithmetic3A_287, %and3A_289 : vector<16xi32>
      %add3A_291 = arith.addi %add3A_284, %and3A_290 : vector<16xi32>
      %swap3A_292 = arith.index_cast %scan3A_170 : i32 to index
      %swap3A_293 = arith.constant 64 : index
      %swap3A_294 = tpu.vector_load %arg6[%swap3A_292, %swap3A_293] {strides = array<i32>} : memref<128x200xi32, #tpu.memory_space<vmem>>, vector<1x16xi32>,
      %swap3A_295 = vector.shape_cast %swap3A_294 : vector<1x16xi32> to vector<16xi32>
      %swap3A_296 = vector.shape_cast %add3A_291 : vector<16xi32> to vector<1x16xi32>
      tpu.vector_store %arg6[%swap3A_292, %swap3A_293], %swap3A_296 {strides = array<i32>} : memref<128x200xi32, #tpu.memory_space<vmem>>, vector<1x16xi32>,
      %get3A_297 = arith.index_cast %scan3A_170 : i32 to index
      %get3A_298 = arith.constant 80 : index
      %get3A_299 = tpu.vector_load %arg6[%get3A_297, %get3A_298] {strides = array<i32>} : memref<128x200xi32, #tpu.memory_space<vmem>>, vector<1x16xi32>,
      %get3A_300 = vector.shape_cast %get3A_299 : vector<1x16xi32> to vector<16xi32>
      %and3A_301 = arith.constant -16384 : i32
      %and3A_302 = vector.broadcast %and3A_301 : i32 to vector<16xi32>
      %and3A_303 = arith.andi %get3A_300, %and3A_302 : vector<16xi32>
      %and3A_304 = arith.constant 2047 : i32
      %and3A_305 = vector.broadcast %and3A_304 : i32 to vector<16xi32>
      %and3A_306 = arith.andi %get3A_300, %and3A_305 : vector<16xi32>
      %shift_left3A_307 = arith.constant 3 : i32
      %shift_left3A_308 = vector.broadcast %shift_left3A_307 : i32 to vector<16xi32>
      %shift_left3A_309 = arith.shli %and3A_306, %shift_left3A_308 : vector<16xi32>
      %add3A_310 = arith.addi %and3A_303, %shift_left3A_309 : vector<16xi32>
      %shift_right_arithmetic3A_311 = arith.constant 11 : i32
      %shift_right_arithmetic3A_312 = vector.broadcast %shift_right_arithmetic3A_311 : i32 to vector<16xi32>
      %shift_right_arithmetic3A_313 = arith.shrsi %get3A_300, %shift_right_arithmetic3A_312 : vector<16xi32>
      %and3A_314 = arith.constant 7 : i32
      %and3A_315 = vector.broadcast %and3A_314 : i32 to vector<16xi32>
      %and3A_316 = arith.andi %shift_right_arithmetic3A_313, %and3A_315 : vector<16xi32>
      %add3A_317 = arith.addi %add3A_310, %and3A_316 : vector<16xi32>
      %swap3A_318 = arith.index_cast %scan3A_170 : i32 to index
      %swap3A_319 = arith.constant 80 : index
      %swap3A_320 = tpu.vector_load %arg6[%swap3A_318, %swap3A_319] {strides = array<i32>} : memref<128x200xi32, #tpu.memory_space<vmem>>, vector<1x16xi32>,
      %swap3A_321 = vector.shape_cast %swap3A_320 : vector<1x16xi32> to vector<16xi32>
      %swap3A_322 = vector.shape_cast %add3A_317 : vector<16xi32> to vector<1x16xi32>
      tpu.vector_store %arg6[%swap3A_318, %swap3A_319], %swap3A_322 {strides = array<i32>} : memref<128x200xi32, #tpu.memory_space<vmem>>, vector<1x16xi32>,
      %get3A_323 = arith.index_cast %scan3A_170 : i32 to index
      %get3A_324 = arith.constant 96 : index
      %get3A_325 = tpu.vector_load %arg6[%get3A_323, %get3A_324] {strides = array<i32>} : memref<128x200xi32, #tpu.memory_space<vmem>>, vector<1x16xi32>,
      %get3A_326 = vector.shape_cast %get3A_325 : vector<1x16xi32> to vector<16xi32>
      %and3A_327 = arith.constant -16384 : i32
      %and3A_328 = vector.broadcast %and3A_327 : i32 to vector<16xi32>
      %and3A_329 = arith.andi %get3A_326, %and3A_328 : vector<16xi32>
      %and3A_330 = arith.constant 2047 : i32
      %and3A_331 = vector.broadcast %and3A_330 : i32 to vector<16xi32>
      %and3A_332 = arith.andi %get3A_326, %and3A_331 : vector<16xi32>
      %shift_left3A_333 = arith.constant 3 : i32
      %shift_left3A_334 = vector.broadcast %shift_left3A_333 : i32 to vector<16xi32>
      %shift_left3A_335 = arith.shli %and3A_332, %shift_left3A_334 : vector<16xi32>
      %add3A_336 = arith.addi %and3A_329, %shift_left3A_335 : vector<16xi32>
      %shift_right_arithmetic3A_337 = arith.constant 11 : i32
      %shift_right_arithmetic3A_338 = vector.broadcast %shift_right_arithmetic3A_337 : i32 to vector<16xi32>
      %shift_right_arithmetic3A_339 = arith.shrsi %get3A_326, %shift_right_arithmetic3A_338 : vector<16xi32>
      %and3A_340 = arith.constant 7 : i32
      %and3A_341 = vector.broadcast %and3A_340 : i32 to vector<16xi32>
      %and3A_342 = arith.andi %shift_right_arithmetic3A_339, %and3A_341 : vector<16xi32>
      %add3A_343 = arith.addi %add3A_336, %and3A_342 : vector<16xi32>
      %swap3A_344 = arith.index_cast %scan3A_170 : i32 to index
      %swap3A_345 = arith.constant 96 : index
      %swap3A_346 = tpu.vector_load %arg6[%swap3A_344, %swap3A_345] {strides = array<i32>} : memref<128x200xi32, #tpu.memory_space<vmem>>, vector<1x16xi32>,
      %swap3A_347 = vector.shape_cast %swap3A_346 : vector<1x16xi32> to vector<16xi32>
      %swap3A_348 = vector.shape_cast %add3A_343 : vector<16xi32> to vector<1x16xi32>
      tpu.vector_store %arg6[%swap3A_344, %swap3A_345], %swap3A_348 {strides = array<i32>} : memref<128x200xi32, #tpu.memory_space<vmem>>, vector<1x16xi32>,
      %get3A_349 = arith.index_cast %scan3A_170 : i32 to index
      %get3A_350 = arith.constant 112 : index
      %get3A_351 = tpu.vector_load %arg6[%get3A_349, %get3A_350] {strides = array<i32>} : memref<128x200xi32, #tpu.memory_space<vmem>>, vector<1x16xi32>,
      %get3A_352 = vector.shape_cast %get3A_351 : vector<1x16xi32> to vector<16xi32>
      %and3A_353 = arith.constant -16384 : i32
      %and3A_354 = vector.broadcast %and3A_353 : i32 to vector<16xi32>
      %and3A_355 = arith.andi %get3A_352, %and3A_354 : vector<16xi32>
      %and3A_356 = arith.constant 2047 : i32
      %and3A_357 = vector.broadcast %and3A_356 : i32 to vector<16xi32>
      %and3A_358 = arith.andi %get3A_352, %and3A_357 : vector<16xi32>
      %shift_left3A_359 = arith.constant 3 : i32
      %shift_left3A_360 = vector.broadcast %shift_left3A_359 : i32 to vector<16xi32>
      %shift_left3A_361 = arith.shli %and3A_358, %shift_left3A_360 : vector<16xi32>
      %add3A_362 = arith.addi %and3A_355, %shift_left3A_361 : vector<16xi32>
      %shift_right_arithmetic3A_363 = arith.constant 11 : i32
      %shift_right_arithmetic3A_364 = vector.broadcast %shift_right_arithmetic3A_363 : i32 to vector<16xi32>
      %shift_right_arithmetic3A_365 = arith.shrsi %get3A_352, %shift_right_arithmetic3A_364 : vector<16xi32>
      %and3A_366 = arith.constant 7 : i32
      %and3A_367 = vector.broadcast %and3A_366 : i32 to vector<16xi32>
      %and3A_368 = arith.andi %shift_right_arithmetic3A_365, %and3A_367 : vector<16xi32>
      %add3A_369 = arith.addi %add3A_362, %and3A_368 : vector<16xi32>
      %swap3A_370 = arith.index_cast %scan3A_170 : i32 to index
      %swap3A_371 = arith.constant 112 : index
      %swap3A_372 = tpu.vector_load %arg6[%swap3A_370, %swap3A_371] {strides = array<i32>} : memref<128x200xi32, #tpu.memory_space<vmem>>, vector<1x16xi32>,
      %swap3A_373 = vector.shape_cast %swap3A_372 : vector<1x16xi32> to vector<16xi32>
      %swap3A_374 = vector.shape_cast %add3A_369 : vector<16xi32> to vector<1x16xi32>
      tpu.vector_store %arg6[%swap3A_370, %swap3A_371], %swap3A_374 {strides = array<i32>} : memref<128x200xi32, #tpu.memory_space<vmem>>, vector<1x16xi32>,
      %get3A_375 = arith.index_cast %scan3A_170 : i32 to index
      %get3A_376 = arith.constant 128 : index
      %get3A_377 = tpu.vector_load %arg6[%get3A_375, %get3A_376] {strides = array<i32>} : memref<128x200xi32, #tpu.memory_space<vmem>>, vector<1x16xi32>,
      %get3A_378 = vector.shape_cast %get3A_377 : vector<1x16xi32> to vector<16xi32>
      %and3A_379 = arith.constant -16384 : i32
      %and3A_380 = vector.broadcast %and3A_379 : i32 to vector<16xi32>
      %and3A_381 = arith.andi %get3A_378, %and3A_380 : vector<16xi32>
      %and3A_382 = arith.constant 2047 : i32
      %and3A_383 = vector.broadcast %and3A_382 : i32 to vector<16xi32>
      %and3A_384 = arith.andi %get3A_378, %and3A_383 : vector<16xi32>
      %shift_left3A_385 = arith.constant 3 : i32
      %shift_left3A_386 = vector.broadcast %shift_left3A_385 : i32 to vector<16xi32>
      %shift_left3A_387 = arith.shli %and3A_384, %shift_left3A_386 : vector<16xi32>
      %add3A_388 = arith.addi %and3A_381, %shift_left3A_387 : vector<16xi32>
      %shift_right_arithmetic3A_389 = arith.constant 11 : i32
      %shift_right_arithmetic3A_390 = vector.broadcast %shift_right_arithmetic3A_389 : i32 to vector<16xi32>
      %shift_right_arithmetic3A_391 = arith.shrsi %get3A_378, %shift_right_arithmetic3A_390 : vector<16xi32>
      %and3A_392 = arith.constant 7 : i32
      %and3A_393 = vector.broadcast %and3A_392 : i32 to vector<16xi32>
      %and3A_394 = arith.andi %shift_right_arithmetic3A_391, %and3A_393 : vector<16xi32>
      %add3A_395 = arith.addi %add3A_388, %and3A_394 : vector<16xi32>
      %swap3A_396 = arith.index_cast %scan3A_170 : i32 to index
      %swap3A_397 = arith.constant 128 : index
      %swap3A_398 = tpu.vector_load %arg6[%swap3A_396, %swap3A_397] {strides = array<i32>} : memref<128x200xi32, #tpu.memory_space<vmem>>, vector<1x16xi32>,
      %swap3A_399 = vector.shape_cast %swap3A_398 : vector<1x16xi32> to vector<16xi32>
      %swap3A_400 = vector.shape_cast %add3A_395 : vector<16xi32> to vector<1x16xi32>
      tpu.vector_store %arg6[%swap3A_396, %swap3A_397], %swap3A_400 {strides = array<i32>} : memref<128x200xi32, #tpu.memory_space<vmem>>, vector<1x16xi32>,
      %get3A_401 = arith.index_cast %scan3A_170 : i32 to index
      %get3A_402 = arith.constant 144 : index
      %get3A_403 = tpu.vector_load %arg6[%get3A_401, %get3A_402] {strides = array<i32>} : memref<128x200xi32, #tpu.memory_space<vmem>>, vector<1x16xi32>,
      %get3A_404 = vector.shape_cast %get3A_403 : vector<1x16xi32> to vector<16xi32>
      %and3A_405 = arith.constant -16384 : i32
      %and3A_406 = vector.broadcast %and3A_405 : i32 to vector<16xi32>
      %and3A_407 = arith.andi %get3A_404, %and3A_406 : vector<16xi32>
      %and3A_408 = arith.constant 2047 : i32
      %and3A_409 = vector.broadcast %and3A_408 : i32 to vector<16xi32>
      %and3A_410 = arith.andi %get3A_404, %and3A_409 : vector<16xi32>
      %shift_left3A_411 = arith.constant 3 : i32
      %shift_left3A_412 = vector.broadcast %shift_left3A_411 : i32 to vector<16xi32>
      %shift_left3A_413 = arith.shli %and3A_410, %shift_left3A_412 : vector<16xi32>
      %add3A_414 = arith.addi %and3A_407, %shift_left3A_413 : vector<16xi32>
      %shift_right_arithmetic3A_415 = arith.constant 11 : i32
      %shift_right_arithmetic3A_416 = vector.broadcast %shift_right_arithmetic3A_415 : i32 to vector<16xi32>
      %shift_right_arithmetic3A_417 = arith.shrsi %get3A_404, %shift_right_arithmetic3A_416 : vector<16xi32>
      %and3A_418 = arith.constant 7 : i32
      %and3A_419 = vector.broadcast %and3A_418 : i32 to vector<16xi32>
      %and3A_420 = arith.andi %shift_right_arithmetic3A_417, %and3A_419 : vector<16xi32>
      %add3A_421 = arith.addi %add3A_414, %and3A_420 : vector<16xi32>
      %swap3A_422 = arith.index_cast %scan3A_170 : i32 to index
      %swap3A_423 = arith.constant 144 : index
      %swap3A_424 = tpu.vector_load %arg6[%swap3A_422, %swap3A_423] {strides = array<i32>} : memref<128x200xi32, #tpu.memory_space<vmem>>, vector<1x16xi32>,
      %swap3A_425 = vector.shape_cast %swap3A_424 : vector<1x16xi32> to vector<16xi32>
      %swap3A_426 = vector.shape_cast %add3A_421 : vector<16xi32> to vector<1x16xi32>
      tpu.vector_store %arg6[%swap3A_422, %swap3A_423], %swap3A_426 {strides = array<i32>} : memref<128x200xi32, #tpu.memory_space<vmem>>, vector<1x16xi32>,
      %get3A_427 = arith.index_cast %scan3A_170 : i32 to index
      %get3A_428 = arith.constant 160 : index
      %get3A_429 = tpu.vector_load %arg6[%get3A_427, %get3A_428] {strides = array<i32>} : memref<128x200xi32, #tpu.memory_space<vmem>>, vector<1x16xi32>,
      %get3A_430 = vector.shape_cast %get3A_429 : vector<1x16xi32> to vector<16xi32>
      %and3A_431 = arith.constant -16384 : i32
      %and3A_432 = vector.broadcast %and3A_431 : i32 to vector<16xi32>
      %and3A_433 = arith.andi %get3A_430, %and3A_432 : vector<16xi32>
      %and3A_434 = arith.constant 2047 : i32
      %and3A_435 = vector.broadcast %and3A_434 : i32 to vector<16xi32>
      %and3A_436 = arith.andi %get3A_430, %and3A_435 : vector<16xi32>
      %shift_left3A_437 = arith.constant 3 : i32
      %shift_left3A_438 = vector.broadcast %shift_left3A_437 : i32 to vector<16xi32>
      %shift_left3A_439 = arith.shli %and3A_436, %shift_left3A_438 : vector<16xi32>
      %add3A_440 = arith.addi %and3A_433, %shift_left3A_439 : vector<16xi32>
      %shift_right_arithmetic3A_441 = arith.constant 11 : i32
      %shift_right_arithmetic3A_442 = vector.broadcast %shift_right_arithmetic3A_441 : i32 to vector<16xi32>
      %shift_right_arithmetic3A_443 = arith.shrsi %get3A_430, %shift_right_arithmetic3A_442 : vector<16xi32>
      %and3A_444 = arith.constant 7 : i32
      %and3A_445 = vector.broadcast %and3A_444 : i32 to vector<16xi32>
      %and3A_446 = arith.andi %shift_right_arithmetic3A_443, %and3A_445 : vector<16xi32>
      %add3A_447 = arith.addi %add3A_440, %and3A_446 : vector<16xi32>
      %swap3A_448 = arith.index_cast %scan3A_170 : i32 to index
      %swap3A_449 = arith.constant 160 : index
      %swap3A_450 = tpu.vector_load %arg6[%swap3A_448, %swap3A_449] {strides = array<i32>} : memref<128x200xi32, #tpu.memory_space<vmem>>, vector<1x16xi32>,
      %swap3A_451 = vector.shape_cast %swap3A_450 : vector<1x16xi32> to vector<16xi32>
      %swap3A_452 = vector.shape_cast %add3A_447 : vector<16xi32> to vector<1x16xi32>
      tpu.vector_store %arg6[%swap3A_448, %swap3A_449], %swap3A_452 {strides = array<i32>} : memref<128x200xi32, #tpu.memory_space<vmem>>, vector<1x16xi32>,
      %get3A_453 = arith.index_cast %scan3A_170 : i32 to index
      %get3A_454 = arith.constant 176 : index
      %get3A_455 = tpu.vector_load %arg6[%get3A_453, %get3A_454] {strides = array<i32>} : memref<128x200xi32, #tpu.memory_space<vmem>>, vector<1x16xi32>,
      %get3A_456 = vector.shape_cast %get3A_455 : vector<1x16xi32> to vector<16xi32>
      %and3A_457 = arith.constant -16384 : i32
      %and3A_458 = vector.broadcast %and3A_457 : i32 to vector<16xi32>
      %and3A_459 = arith.andi %get3A_456, %and3A_458 : vector<16xi32>
      %and3A_460 = arith.constant 2047 : i32
      %and3A_461 = vector.broadcast %and3A_460 : i32 to vector<16xi32>
      %and3A_462 = arith.andi %get3A_456, %and3A_461 : vector<16xi32>
      %shift_left3A_463 = arith.constant 3 : i32
      %shift_left3A_464 = vector.broadcast %shift_left3A_463 : i32 to vector<16xi32>
      %shift_left3A_465 = arith.shli %and3A_462, %shift_left3A_464 : vector<16xi32>
      %add3A_466 = arith.addi %and3A_459, %shift_left3A_465 : vector<16xi32>
      %shift_right_arithmetic3A_467 = arith.constant 11 : i32
      %shift_right_arithmetic3A_468 = vector.broadcast %shift_right_arithmetic3A_467 : i32 to vector<16xi32>
      %shift_right_arithmetic3A_469 = arith.shrsi %get3A_456, %shift_right_arithmetic3A_468 : vector<16xi32>
      %and3A_470 = arith.constant 7 : i32
      %and3A_471 = vector.broadcast %and3A_470 : i32 to vector<16xi32>
      %and3A_472 = arith.andi %shift_right_arithmetic3A_469, %and3A_471 : vector<16xi32>
      %add3A_473 = arith.addi %add3A_466, %and3A_472 : vector<16xi32>
      %swap3A_474 = arith.index_cast %scan3A_170 : i32 to index
      %swap3A_475 = arith.constant 176 : index
      %swap3A_476 = tpu.vector_load %arg6[%swap3A_474, %swap3A_475] {strides = array<i32>} : memref<128x200xi32, #tpu.memory_space<vmem>>, vector<1x16xi32>,
      %swap3A_477 = vector.shape_cast %swap3A_476 : vector<1x16xi32> to vector<16xi32>
      %swap3A_478 = vector.shape_cast %add3A_473 : vector<16xi32> to vector<1x16xi32>
      tpu.vector_store %arg6[%swap3A_474, %swap3A_475], %swap3A_478 {strides = array<i32>} : memref<128x200xi32, #tpu.memory_space<vmem>>, vector<1x16xi32>,
      %get3A_479 = arith.index_cast %scan3A_170 : i32 to index
      %get3A_480 = arith.constant 184 : index
      %get3A_481 = tpu.vector_load %arg6[%get3A_479, %get3A_480] {strides = array<i32>} : memref<128x200xi32, #tpu.memory_space<vmem>>, vector<1x16xi32>,
      %get3A_482 = vector.shape_cast %get3A_481 : vector<1x16xi32> to vector<16xi32>
      %lt3A = arith.constant 8 : i32
      %lt3A_483 = vector.broadcast %lt3A : i32 to vector<16xi32>
      %lt3A_484 = arith.cmpi slt, %iota3A, %lt3A_483 : vector<16xi32>
      %and3A_485 = arith.constant -16384 : i32
      %and3A_486 = vector.broadcast %and3A_485 : i32 to vector<16xi32>
      %and3A_487 = arith.andi %get3A_482, %and3A_486 : vector<16xi32>
      %and3A_488 = arith.constant 2047 : i32
      %and3A_489 = vector.broadcast %and3A_488 : i32 to vector<16xi32>
      %and3A_490 = arith.andi %get3A_482, %and3A_489 : vector<16xi32>
      %shift_left3A_491 = arith.constant 3 : i32
      %shift_left3A_492 = vector.broadcast %shift_left3A_491 : i32 to vector<16xi32>
      %shift_left3A_493 = arith.shli %and3A_490, %shift_left3A_492 : vector<16xi32>
      %add3A_494 = arith.addi %and3A_487, %shift_left3A_493 : vector<16xi32>
      %shift_right_arithmetic3A_495 = arith.constant 11 : i32
      %shift_right_arithmetic3A_496 = vector.broadcast %shift_right_arithmetic3A_495 : i32 to vector<16xi32>
      %shift_right_arithmetic3A_497 = arith.shrsi %get3A_482, %shift_right_arithmetic3A_496 : vector<16xi32>
      %and3A_498 = arith.constant 7 : i32
      %and3A_499 = vector.broadcast %and3A_498 : i32 to vector<16xi32>
      %and3A_500 = arith.andi %shift_right_arithmetic3A_497, %and3A_499 : vector<16xi32>
      %add3A_501 = arith.addi %add3A_494, %and3A_500 : vector<16xi32>
      %select_n3A = arith.select %lt3A_484, %get3A_482, %add3A_501 : vector<16xi1>, vector<16xi32>
      %swap3A_502 = arith.index_cast %scan3A_170 : i32 to index
      %swap3A_503 = arith.constant 184 : index
      %swap3A_504 = tpu.vector_load %arg6[%swap3A_502, %swap3A_503] {strides = array<i32>} : memref<128x200xi32, #tpu.memory_space<vmem>>, vector<1x16xi32>,
      %swap3A_505 = vector.shape_cast %swap3A_504 : vector<1x16xi32> to vector<16xi32>
      %swap3A_506 = vector.shape_cast %select_n3A : vector<16xi32> to vector<1x16xi32>
      tpu.vector_store %arg6[%swap3A_502, %swap3A_503], %swap3A_506 {strides = array<i32>} : memref<128x200xi32, #tpu.memory_space<vmem>>, vector<1x16xi32>,
    }
    %scan3A_12 = arith.constant 128 : i32
    %dma_start3A = arith.constant 0 : i32
    %dma_start3A_13 = arith.constant 0 : i32
    %dma_start3A_14 = arith.constant 0 : i32
    %dma_start3A_15 = tpu.memref_slice %arg7[%dma_start3A_13, %dma_start3A_14] : memref<200x16xf32, #tpu.memory_space<vmem>> -> memref<40x16xf32, #tpu.memory_space<vmem>>
    %dma_start3A_16 = arith.constant 0 : i32
    %dma_start3A_17 = tpu.memref_slice %arg6[%dma_start3A, %dma_start3A_16] : memref<128x200xi32, #tpu.memory_space<vmem>> -> memref<1x40xi32, #tpu.memory_space<vmem>>
    %dma_start3A_18 = tpu.memref_squeeze %dma_start3A_17 : memref<1x40xi32, #tpu.memory_space<vmem>> -> memref<40xi32, #tpu.memory_space<vmem>>
    %dma_start3A_19 = arith.constant 0 : i32
    %dma_start3A_20 = arith.constant 0 : i32
    %dma_start3A_21 = tpu.memref_slice %arg3[%dma_start3A_19, %dma_start3A_20] : memref<1015808x16xf32, #tpu.memory_space<hbm>> -> memref<1015808x16xf32, #tpu.memory_space<hbm>>
    tpu.enqueue_indirect_dma source(%dma_start3A_21 : memref<1015808x16xf32, #tpu.memory_space<hbm>>) target(%dma_start3A_15 : memref<40x16xf32, #tpu.memory_space<vmem>>) offsets(%dma_start3A_18 : memref<40xi32, #tpu.memory_space<vmem>>) semaphore(%arg13 : memref<!tpu.dma_semaphore, #tpu.memory_space<semaphore_mem>>)
    %dma_start3A_22 = arith.constant 0 : i32
    %dma_start3A_23 = arith.constant 40 : i32
    %dma_start3A_24 = arith.constant 0 : i32
    %dma_start3A_25 = tpu.memref_slice %arg7[%dma_start3A_23, %dma_start3A_24] : memref<200x16xf32, #tpu.memory_space<vmem>> -> memref<40x16xf32, #tpu.memory_space<vmem>>
    %dma_start3A_26 = arith.constant 40 : i32
    %dma_start3A_27 = tpu.memref_slice %arg6[%dma_start3A_22, %dma_start3A_26] : memref<128x200xi32, #tpu.memory_space<vmem>> -> memref<1x40xi32, #tpu.memory_space<vmem>>
    %dma_start3A_28 = tpu.memref_squeeze %dma_start3A_27 : memref<1x40xi32, #tpu.memory_space<vmem>> -> memref<40xi32, #tpu.memory_space<vmem>>
    %dma_start3A_29 = arith.constant 0 : i32
    %dma_start3A_30 = arith.constant 0 : i32
    %dma_start3A_31 = tpu.memref_slice %arg3[%dma_start3A_29, %dma_start3A_30] : memref<1015808x16xf32, #tpu.memory_space<hbm>> -> memref<1015808x16xf32, #tpu.memory_space<hbm>>
    tpu.enqueue_indirect_dma source(%dma_start3A_31 : memref<1015808x16xf32, #tpu.memory_space<hbm>>) target(%dma_start3A_25 : memref<40x16xf32, #tpu.memory_space<vmem>>) offsets(%dma_start3A_28 : memref<40xi32, #tpu.memory_space<vmem>>) semaphore(%arg13 : memref<!tpu.dma_semaphore, #tpu.memory_space<semaphore_mem>>)
    %dma_start3A_32 = arith.constant 0 : i32
    %dma_start3A_33 = arith.constant 80 : i32
    %dma_start3A_34 = arith.constant 0 : i32
    %dma_start3A_35 = tpu.memref_slice %arg7[%dma_start3A_33, %dma_start3A_34] : memref<200x16xf32, #tpu.memory_space<vmem>> -> memref<40x16xf32, #tpu.memory_space<vmem>>
    %dma_start3A_36 = arith.constant 80 : i32
    %dma_start3A_37 = tpu.memref_slice %arg6[%dma_start3A_32, %dma_start3A_36] : memref<128x200xi32, #tpu.memory_space<vmem>> -> memref<1x40xi32, #tpu.memory_space<vmem>>
    %dma_start3A_38 = tpu.memref_squeeze %dma_start3A_37 : memref<1x40xi32, #tpu.memory_space<vmem>> -> memref<40xi32, #tpu.memory_space<vmem>>
    %dma_start3A_39 = arith.constant 0 : i32
    %dma_start3A_40 = arith.constant 0 : i32
    %dma_start3A_41 = tpu.memref_slice %arg3[%dma_start3A_39, %dma_start3A_40] : memref<1015808x16xf32, #tpu.memory_space<hbm>> -> memref<1015808x16xf32, #tpu.memory_space<hbm>>
    tpu.enqueue_indirect_dma source(%dma_start3A_41 : memref<1015808x16xf32, #tpu.memory_space<hbm>>) target(%dma_start3A_35 : memref<40x16xf32, #tpu.memory_space<vmem>>) offsets(%dma_start3A_38 : memref<40xi32, #tpu.memory_space<vmem>>) semaphore(%arg13 : memref<!tpu.dma_semaphore, #tpu.memory_space<semaphore_mem>>)
    %dma_start3A_42 = arith.constant 0 : i32
    %dma_start3A_43 = arith.constant 120 : i32
    %dma_start3A_44 = arith.constant 0 : i32
    %dma_start3A_45 = tpu.memref_slice %arg7[%dma_start3A_43, %dma_start3A_44] : memref<200x16xf32, #tpu.memory_space<vmem>> -> memref<40x16xf32, #tpu.memory_space<vmem>>
    %dma_start3A_46 = arith.constant 120 : i32
    %dma_start3A_47 = tpu.memref_slice %arg6[%dma_start3A_42, %dma_start3A_46] : memref<128x200xi32, #tpu.memory_space<vmem>> -> memref<1x40xi32, #tpu.memory_space<vmem>>
    %dma_start3A_48 = tpu.memref_squeeze %dma_start3A_47 : memref<1x40xi32, #tpu.memory_space<vmem>> -> memref<40xi32, #tpu.memory_space<vmem>>
    %dma_start3A_49 = arith.constant 0 : i32
    %dma_start3A_50 = arith.constant 0 : i32
    %dma_start3A_51 = tpu.memref_slice %arg3[%dma_start3A_49, %dma_start3A_50] : memref<1015808x16xf32, #tpu.memory_space<hbm>> -> memref<1015808x16xf32, #tpu.memory_space<hbm>>
    tpu.enqueue_indirect_dma source(%dma_start3A_51 : memref<1015808x16xf32, #tpu.memory_space<hbm>>) target(%dma_start3A_45 : memref<40x16xf32, #tpu.memory_space<vmem>>) offsets(%dma_start3A_48 : memref<40xi32, #tpu.memory_space<vmem>>) semaphore(%arg13 : memref<!tpu.dma_semaphore, #tpu.memory_space<semaphore_mem>>)
    %dma_start3A_52 = arith.constant 0 : i32
    %dma_start3A_53 = arith.constant 160 : i32
    %dma_start3A_54 = arith.constant 0 : i32
    %dma_start3A_55 = tpu.memref_slice %arg7[%dma_start3A_53, %dma_start3A_54] : memref<200x16xf32, #tpu.memory_space<vmem>> -> memref<40x16xf32, #tpu.memory_space<vmem>>
    %dma_start3A_56 = arith.constant 160 : i32
    %dma_start3A_57 = tpu.memref_slice %arg6[%dma_start3A_52, %dma_start3A_56] : memref<128x200xi32, #tpu.memory_space<vmem>> -> memref<1x40xi32, #tpu.memory_space<vmem>>
    %dma_start3A_58 = tpu.memref_squeeze %dma_start3A_57 : memref<1x40xi32, #tpu.memory_space<vmem>> -> memref<40xi32, #tpu.memory_space<vmem>>
    %dma_start3A_59 = arith.constant 0 : i32
    %dma_start3A_60 = arith.constant 0 : i32
    %dma_start3A_61 = tpu.memref_slice %arg3[%dma_start3A_59, %dma_start3A_60] : memref<1015808x16xf32, #tpu.memory_space<hbm>> -> memref<1015808x16xf32, #tpu.memory_space<hbm>>
    tpu.enqueue_indirect_dma source(%dma_start3A_61 : memref<1015808x16xf32, #tpu.memory_space<hbm>>) target(%dma_start3A_55 : memref<40x16xf32, #tpu.memory_space<vmem>>) offsets(%dma_start3A_58 : memref<40xi32, #tpu.memory_space<vmem>>) semaphore(%arg13 : memref<!tpu.dma_semaphore, #tpu.memory_space<semaphore_mem>>)
    %dma_start3A_62 = arith.constant 1 : i32
    %dma_start3A_63 = arith.constant 0 : i32
    %dma_start3A_64 = arith.constant 0 : i32
    %dma_start3A_65 = tpu.memref_slice %arg8[%dma_start3A_63, %dma_start3A_64] : memref<200x16xf32, #tpu.memory_space<vmem>> -> memref<40x16xf32, #tpu.memory_space<vmem>>
    %dma_start3A_66 = arith.constant 0 : i32
    %dma_start3A_67 = tpu.memref_slice %arg6[%dma_start3A_62, %dma_start3A_66] : memref<128x200xi32, #tpu.memory_space<vmem>> -> memref<1x40xi32, #tpu.memory_space<vmem>>
    %dma_start3A_68 = tpu.memref_squeeze %dma_start3A_67 : memref<1x40xi32, #tpu.memory_space<vmem>> -> memref<40xi32, #tpu.memory_space<vmem>>
    %dma_start3A_69 = arith.constant 0 : i32
    %dma_start3A_70 = arith.constant 0 : i32
    %dma_start3A_71 = tpu.memref_slice %arg3[%dma_start3A_69, %dma_start3A_70] : memref<1015808x16xf32, #tpu.memory_space<hbm>> -> memref<1015808x16xf32, #tpu.memory_space<hbm>>
    tpu.enqueue_indirect_dma source(%dma_start3A_71 : memref<1015808x16xf32, #tpu.memory_space<hbm>>) target(%dma_start3A_65 : memref<40x16xf32, #tpu.memory_space<vmem>>) offsets(%dma_start3A_68 : memref<40xi32, #tpu.memory_space<vmem>>) semaphore(%arg14 : memref<!tpu.dma_semaphore, #tpu.memory_space<semaphore_mem>>)
    %dma_start3A_72 = arith.constant 1 : i32
    %dma_start3A_73 = arith.constant 40 : i32
    %dma_start3A_74 = arith.constant 0 : i32
    %dma_start3A_75 = tpu.memref_slice %arg8[%dma_start3A_73, %dma_start3A_74] : memref<200x16xf32, #tpu.memory_space<vmem>> -> memref<40x16xf32, #tpu.memory_space<vmem>>
    %dma_start3A_76 = arith.constant 40 : i32
    %dma_start3A_77 = tpu.memref_slice %arg6[%dma_start3A_72, %dma_start3A_76] : memref<128x200xi32, #tpu.memory_space<vmem>> -> memref<1x40xi32, #tpu.memory_space<vmem>>
    %dma_start3A_78 = tpu.memref_squeeze %dma_start3A_77 : memref<1x40xi32, #tpu.memory_space<vmem>> -> memref<40xi32, #tpu.memory_space<vmem>>
    %dma_start3A_79 = arith.constant 0 : i32
    %dma_start3A_80 = arith.constant 0 : i32
    %dma_start3A_81 = tpu.memref_slice %arg3[%dma_start3A_79, %dma_start3A_80] : memref<1015808x16xf32, #tpu.memory_space<hbm>> -> memref<1015808x16xf32, #tpu.memory_space<hbm>>
    tpu.enqueue_indirect_dma source(%dma_start3A_81 : memref<1015808x16xf32, #tpu.memory_space<hbm>>) target(%dma_start3A_75 : memref<40x16xf32, #tpu.memory_space<vmem>>) offsets(%dma_start3A_78 : memref<40xi32, #tpu.memory_space<vmem>>) semaphore(%arg14 : memref<!tpu.dma_semaphore, #tpu.memory_space<semaphore_mem>>)
    %dma_start3A_82 = arith.constant 1 : i32
    %dma_start3A_83 = arith.constant 80 : i32
    %dma_start3A_84 = arith.constant 0 : i32
    %dma_start3A_85 = tpu.memref_slice %arg8[%dma_start3A_83, %dma_start3A_84] : memref<200x16xf32, #tpu.memory_space<vmem>> -> memref<40x16xf32, #tpu.memory_space<vmem>>
    %dma_start3A_86 = arith.constant 80 : i32
    %dma_start3A_87 = tpu.memref_slice %arg6[%dma_start3A_82, %dma_start3A_86] : memref<128x200xi32, #tpu.memory_space<vmem>> -> memref<1x40xi32, #tpu.memory_space<vmem>>
    %dma_start3A_88 = tpu.memref_squeeze %dma_start3A_87 : memref<1x40xi32, #tpu.memory_space<vmem>> -> memref<40xi32, #tpu.memory_space<vmem>>
    %dma_start3A_89 = arith.constant 0 : i32
    %dma_start3A_90 = arith.constant 0 : i32
    %dma_start3A_91 = tpu.memref_slice %arg3[%dma_start3A_89, %dma_start3A_90] : memref<1015808x16xf32, #tpu.memory_space<hbm>> -> memref<1015808x16xf32, #tpu.memory_space<hbm>>
    tpu.enqueue_indirect_dma source(%dma_start3A_91 : memref<1015808x16xf32, #tpu.memory_space<hbm>>) target(%dma_start3A_85 : memref<40x16xf32, #tpu.memory_space<vmem>>) offsets(%dma_start3A_88 : memref<40xi32, #tpu.memory_space<vmem>>) semaphore(%arg14 : memref<!tpu.dma_semaphore, #tpu.memory_space<semaphore_mem>>)
    %dma_start3A_92 = arith.constant 1 : i32
    %dma_start3A_93 = arith.constant 120 : i32
    %dma_start3A_94 = arith.constant 0 : i32
    %dma_start3A_95 = tpu.memref_slice %arg8[%dma_start3A_93, %dma_start3A_94] : memref<200x16xf32, #tpu.memory_space<vmem>> -> memref<40x16xf32, #tpu.memory_space<vmem>>
    %dma_start3A_96 = arith.constant 120 : i32
    %dma_start3A_97 = tpu.memref_slice %arg6[%dma_start3A_92, %dma_start3A_96] : memref<128x200xi32, #tpu.memory_space<vmem>> -> memref<1x40xi32, #tpu.memory_space<vmem>>
    %dma_start3A_98 = tpu.memref_squeeze %dma_start3A_97 : memref<1x40xi32, #tpu.memory_space<vmem>> -> memref<40xi32, #tpu.memory_space<vmem>>
    %dma_start3A_99 = arith.constant 0 : i32
    %dma_start3A_100 = arith.constant 0 : i32
    %dma_start3A_101 = tpu.memref_slice %arg3[%dma_start3A_99, %dma_start3A_100] : memref<1015808x16xf32, #tpu.memory_space<hbm>> -> memref<1015808x16xf32, #tpu.memory_space<hbm>>
    tpu.enqueue_indirect_dma source(%dma_start3A_101 : memref<1015808x16xf32, #tpu.memory_space<hbm>>) target(%dma_start3A_95 : memref<40x16xf32, #tpu.memory_space<vmem>>) offsets(%dma_start3A_98 : memref<40xi32, #tpu.memory_space<vmem>>) semaphore(%arg14 : memref<!tpu.dma_semaphore, #tpu.memory_space<semaphore_mem>>)
    %dma_start3A_102 = arith.constant 1 : i32
    %dma_start3A_103 = arith.constant 160 : i32
    %dma_start3A_104 = arith.constant 0 : i32
    %dma_start3A_105 = tpu.memref_slice %arg8[%dma_start3A_103, %dma_start3A_104] : memref<200x16xf32, #tpu.memory_space<vmem>> -> memref<40x16xf32, #tpu.memory_space<vmem>>
    %dma_start3A_106 = arith.constant 160 : i32
    %dma_start3A_107 = tpu.memref_slice %arg6[%dma_start3A_102, %dma_start3A_106] : memref<128x200xi32, #tpu.memory_space<vmem>> -> memref<1x40xi32, #tpu.memory_space<vmem>>
    %dma_start3A_108 = tpu.memref_squeeze %dma_start3A_107 : memref<1x40xi32, #tpu.memory_space<vmem>> -> memref<40xi32, #tpu.memory_space<vmem>>
    %dma_start3A_109 = arith.constant 0 : i32
    %dma_start3A_110 = arith.constant 0 : i32
    %dma_start3A_111 = tpu.memref_slice %arg3[%dma_start3A_109, %dma_start3A_110] : memref<1015808x16xf32, #tpu.memory_space<hbm>> -> memref<1015808x16xf32, #tpu.memory_space<hbm>>
    tpu.enqueue_indirect_dma source(%dma_start3A_111 : memref<1015808x16xf32, #tpu.memory_space<hbm>>) target(%dma_start3A_105 : memref<40x16xf32, #tpu.memory_space<vmem>>) offsets(%dma_start3A_108 : memref<40xi32, #tpu.memory_space<vmem>>) semaphore(%arg14 : memref<!tpu.dma_semaphore, #tpu.memory_space<semaphore_mem>>)
    %dma_start3A_112 = arith.constant 2 : i32
    %dma_start3A_113 = arith.constant 0 : i32
    %dma_start3A_114 = arith.constant 0 : i32
    %dma_start3A_115 = tpu.memref_slice %arg9[%dma_start3A_113, %dma_start3A_114] : memref<200x16xf32, #tpu.memory_space<vmem>> -> memref<40x16xf32, #tpu.memory_space<vmem>>
    %dma_start3A_116 = arith.constant 0 : i32
    %dma_start3A_117 = tpu.memref_slice %arg6[%dma_start3A_112, %dma_start3A_116] : memref<128x200xi32, #tpu.memory_space<vmem>> -> memref<1x40xi32, #tpu.memory_space<vmem>>
    %dma_start3A_118 = tpu.memref_squeeze %dma_start3A_117 : memref<1x40xi32, #tpu.memory_space<vmem>> -> memref<40xi32, #tpu.memory_space<vmem>>
    %dma_start3A_119 = arith.constant 0 : i32
    %dma_start3A_120 = arith.constant 0 : i32
    %dma_start3A_121 = tpu.memref_slice %arg3[%dma_start3A_119, %dma_start3A_120] : memref<1015808x16xf32, #tpu.memory_space<hbm>> -> memref<1015808x16xf32, #tpu.memory_space<hbm>>
    tpu.enqueue_indirect_dma source(%dma_start3A_121 : memref<1015808x16xf32, #tpu.memory_space<hbm>>) target(%dma_start3A_115 : memref<40x16xf32, #tpu.memory_space<vmem>>) offsets(%dma_start3A_118 : memref<40xi32, #tpu.memory_space<vmem>>) semaphore(%arg15 : memref<!tpu.dma_semaphore, #tpu.memory_space<semaphore_mem>>)
    %dma_start3A_122 = arith.constant 2 : i32
    %dma_start3A_123 = arith.constant 40 : i32
    %dma_start3A_124 = arith.constant 0 : i32
    %dma_start3A_125 = tpu.memref_slice %arg9[%dma_start3A_123, %dma_start3A_124] : memref<200x16xf32, #tpu.memory_space<vmem>> -> memref<40x16xf32, #tpu.memory_space<vmem>>
    %dma_start3A_126 = arith.constant 40 : i32
    %dma_start3A_127 = tpu.memref_slice %arg6[%dma_start3A_122, %dma_start3A_126] : memref<128x200xi32, #tpu.memory_space<vmem>> -> memref<1x40xi32, #tpu.memory_space<vmem>>
    %dma_start3A_128 = tpu.memref_squeeze %dma_start3A_127 : memref<1x40xi32, #tpu.memory_space<vmem>> -> memref<40xi32, #tpu.memory_space<vmem>>
    %dma_start3A_129 = arith.constant 0 : i32
    %dma_start3A_130 = arith.constant 0 : i32
    %dma_start3A_131 = tpu.memref_slice %arg3[%dma_start3A_129, %dma_start3A_130] : memref<1015808x16xf32, #tpu.memory_space<hbm>> -> memref<1015808x16xf32, #tpu.memory_space<hbm>>
    tpu.enqueue_indirect_dma source(%dma_start3A_131 : memref<1015808x16xf32, #tpu.memory_space<hbm>>) target(%dma_start3A_125 : memref<40x16xf32, #tpu.memory_space<vmem>>) offsets(%dma_start3A_128 : memref<40xi32, #tpu.memory_space<vmem>>) semaphore(%arg15 : memref<!tpu.dma_semaphore, #tpu.memory_space<semaphore_mem>>)
    %dma_start3A_132 = arith.constant 2 : i32
    %dma_start3A_133 = arith.constant 80 : i32
    %dma_start3A_134 = arith.constant 0 : i32
    %dma_start3A_135 = tpu.memref_slice %arg9[%dma_start3A_133, %dma_start3A_134] : memref<200x16xf32, #tpu.memory_space<vmem>> -> memref<40x16xf32, #tpu.memory_space<vmem>>
    %dma_start3A_136 = arith.constant 80 : i32
    %dma_start3A_137 = tpu.memref_slice %arg6[%dma_start3A_132, %dma_start3A_136] : memref<128x200xi32, #tpu.memory_space<vmem>> -> memref<1x40xi32, #tpu.memory_space<vmem>>
    %dma_start3A_138 = tpu.memref_squeeze %dma_start3A_137 : memref<1x40xi32, #tpu.memory_space<vmem>> -> memref<40xi32, #tpu.memory_space<vmem>>
    %dma_start3A_139 = arith.constant 0 : i32
    %dma_start3A_140 = arith.constant 0 : i32
    %dma_start3A_141 = tpu.memref_slice %arg3[%dma_start3A_139, %dma_start3A_140] : memref<1015808x16xf32, #tpu.memory_space<hbm>> -> memref<1015808x16xf32, #tpu.memory_space<hbm>>
    tpu.enqueue_indirect_dma source(%dma_start3A_141 : memref<1015808x16xf32, #tpu.memory_space<hbm>>) target(%dma_start3A_135 : memref<40x16xf32, #tpu.memory_space<vmem>>) offsets(%dma_start3A_138 : memref<40xi32, #tpu.memory_space<vmem>>) semaphore(%arg15 : memref<!tpu.dma_semaphore, #tpu.memory_space<semaphore_mem>>)
    %dma_start3A_142 = arith.constant 2 : i32
    %dma_start3A_143 = arith.constant 120 : i32
    %dma_start3A_144 = arith.constant 0 : i32
    %dma_start3A_145 = tpu.memref_slice %arg9[%dma_start3A_143, %dma_start3A_144] : memref<200x16xf32, #tpu.memory_space<vmem>> -> memref<40x16xf32, #tpu.memory_space<vmem>>
    %dma_start3A_146 = arith.constant 120 : i32
    %dma_start3A_147 = tpu.memref_slice %arg6[%dma_start3A_142, %dma_start3A_146] : memref<128x200xi32, #tpu.memory_space<vmem>> -> memref<1x40xi32, #tpu.memory_space<vmem>>
    %dma_start3A_148 = tpu.memref_squeeze %dma_start3A_147 : memref<1x40xi32, #tpu.memory_space<vmem>> -> memref<40xi32, #tpu.memory_space<vmem>>
    %dma_start3A_149 = arith.constant 0 : i32
    %dma_start3A_150 = arith.constant 0 : i32
    %dma_start3A_151 = tpu.memref_slice %arg3[%dma_start3A_149, %dma_start3A_150] : memref<1015808x16xf32, #tpu.memory_space<hbm>> -> memref<1015808x16xf32, #tpu.memory_space<hbm>>
    tpu.enqueue_indirect_dma source(%dma_start3A_151 : memref<1015808x16xf32, #tpu.memory_space<hbm>>) target(%dma_start3A_145 : memref<40x16xf32, #tpu.memory_space<vmem>>) offsets(%dma_start3A_148 : memref<40xi32, #tpu.memory_space<vmem>>) semaphore(%arg15 : memref<!tpu.dma_semaphore, #tpu.memory_space<semaphore_mem>>)
    %dma_start3A_152 = arith.constant 2 : i32
    %dma_start3A_153 = arith.constant 160 : i32
    %dma_start3A_154 = arith.constant 0 : i32
    %dma_start3A_155 = tpu.memref_slice %arg9[%dma_start3A_153, %dma_start3A_154] : memref<200x16xf32, #tpu.memory_space<vmem>> -> memref<40x16xf32, #tpu.memory_space<vmem>>
    %dma_start3A_156 = arith.constant 160 : i32
    %dma_start3A_157 = tpu.memref_slice %arg6[%dma_start3A_152, %dma_start3A_156] : memref<128x200xi32, #tpu.memory_space<vmem>> -> memref<1x40xi32, #tpu.memory_space<vmem>>
    %dma_start3A_158 = tpu.memref_squeeze %dma_start3A_157 : memref<1x40xi32, #tpu.memory_space<vmem>> -> memref<40xi32, #tpu.memory_space<vmem>>
    %dma_start3A_159 = arith.constant 0 : i32
    %dma_start3A_160 = arith.constant 0 : i32
    %dma_start3A_161 = tpu.memref_slice %arg3[%dma_start3A_159, %dma_start3A_160] : memref<1015808x16xf32, #tpu.memory_space<hbm>> -> memref<1015808x16xf32, #tpu.memory_space<hbm>>
    tpu.enqueue_indirect_dma source(%dma_start3A_161 : memref<1015808x16xf32, #tpu.memory_space<hbm>>) target(%dma_start3A_155 : memref<40x16xf32, #tpu.memory_space<vmem>>) offsets(%dma_start3A_158 : memref<40xi32, #tpu.memory_space<vmem>>) semaphore(%arg15 : memref<!tpu.dma_semaphore, #tpu.memory_space<semaphore_mem>>)
    %scan3A_162 = arith.constant 0 : i32
    %scan3A_163 = arith.constant 0 : i32
    %scan3A_164 = arith.constant 32 : i32
    %scan3A_165 = arith.addi %scan3A_163, %scan3A_164 : i32
    %scan3A_166 = arith.constant 1 : i32
    scf.for %scan3A_170 = %scan3A_163 to %scan3A_165 step %scan3A_166  : i32 {
      %mul3A_171 = arith.constant 4 : i32
      %mul3A_172 = arith.muli %mul3A_171, %scan3A_170 : i32
      %add3A_173 = arith.constant 0 : i32
      %add3A_174 = arith.addi %mul3A_172, %add3A_173 : i32
      %add3A_175 = arith.constant 3 : i32
      %add3A_176 = arith.addi %add3A_174, %add3A_175 : i32
      %lt3A = arith.constant 128 : i32
      %lt3A_177 = arith.cmpi slt, %add3A_176, %lt3A : i32
      %convert_element_type3A = arith.extui %lt3A_177 : i1 to i32
      %cond3A = arith.constant 0 : i32
      %cond3A_178 = arith.cmpi ne, %convert_element_type3A, %cond3A : i32
      scf.if %cond3A_178 {
        %dma_start3A_284 = arith.constant 0 : i32
        %dma_start3A_285 = arith.constant 0 : i32
        %dma_start3A_286 = tpu.memref_slice %arg10[%dma_start3A_284, %dma_start3A_285] : memref<200x16xf32, #tpu.memory_space<vmem>> -> memref<40x16xf32, #tpu.memory_space<vmem>>
        %dma_start3A_287 = arith.constant 0 : i32
        %dma_start3A_288 = tpu.memref_slice %arg6[%add3A_176, %dma_start3A_287] : memref<128x200xi32, #tpu.memory_space<vmem>> -> memref<1x40xi32, #tpu.memory_space<vmem>>
        %dma_start3A_289 = tpu.memref_squeeze %dma_start3A_288 : memref<1x40xi32, #tpu.memory_space<vmem>> -> memref<40xi32, #tpu.memory_space<vmem>>
        %dma_start3A_290 = arith.constant 0 : i32
        %dma_start3A_291 = arith.constant 0 : i32
        %dma_start3A_292 = tpu.memref_slice %arg3[%dma_start3A_290, %dma_start3A_291] : memref<1015808x16xf32, #tpu.memory_space<hbm>> -> memref<1015808x16xf32, #tpu.memory_space<hbm>>
        tpu.enqueue_indirect_dma source(%dma_start3A_292 : memref<1015808x16xf32, #tpu.memory_space<hbm>>) target(%dma_start3A_286 : memref<40x16xf32, #tpu.memory_space<vmem>>) offsets(%dma_start3A_289 : memref<40xi32, #tpu.memory_space<vmem>>) semaphore(%arg16 : memref<!tpu.dma_semaphore, #tpu.memory_space<semaphore_mem>>)
        %dma_start3A_293 = arith.constant 40 : i32
        %dma_start3A_294 = arith.constant 0 : i32
        %dma_start3A_295 = tpu.memref_slice %arg10[%dma_start3A_293, %dma_start3A_294] : memref<200x16xf32, #tpu.memory_space<vmem>> -> memref<40x16xf32, #tpu.memory_space<vmem>>
        %dma_start3A_296 = arith.constant 40 : i32
        %dma_start3A_297 = tpu.memref_slice %arg6[%add3A_176, %dma_start3A_296] : memref<128x200xi32, #tpu.memory_space<vmem>> -> memref<1x40xi32, #tpu.memory_space<vmem>>
        %dma_start3A_298 = tpu.memref_squeeze %dma_start3A_297 : memref<1x40xi32, #tpu.memory_space<vmem>> -> memref<40xi32, #tpu.memory_space<vmem>>
        %dma_start3A_299 = arith.constant 0 : i32
        %dma_start3A_300 = arith.constant 0 : i32
        %dma_start3A_301 = tpu.memref_slice %arg3[%dma_start3A_299, %dma_start3A_300] : memref<1015808x16xf32, #tpu.memory_space<hbm>> -> memref<1015808x16xf32, #tpu.memory_space<hbm>>
        tpu.enqueue_indirect_dma source(%dma_start3A_301 : memref<1015808x16xf32, #tpu.memory_space<hbm>>) target(%dma_start3A_295 : memref<40x16xf32, #tpu.memory_space<vmem>>) offsets(%dma_start3A_298 : memref<40xi32, #tpu.memory_space<vmem>>) semaphore(%arg16 : memref<!tpu.dma_semaphore, #tpu.memory_space<semaphore_mem>>)
        %dma_start3A_302 = arith.constant 80 : i32
        %dma_start3A_303 = arith.constant 0 : i32
        %dma_start3A_304 = tpu.memref_slice %arg10[%dma_start3A_302, %dma_start3A_303] : memref<200x16xf32, #tpu.memory_space<vmem>> -> memref<40x16xf32, #tpu.memory_space<vmem>>
        %dma_start3A_305 = arith.constant 80 : i32
        %dma_start3A_306 = tpu.memref_slice %arg6[%add3A_176, %dma_start3A_305] : memref<128x200xi32, #tpu.memory_space<vmem>> -> memref<1x40xi32, #tpu.memory_space<vmem>>
        %dma_start3A_307 = tpu.memref_squeeze %dma_start3A_306 : memref<1x40xi32, #tpu.memory_space<vmem>> -> memref<40xi32, #tpu.memory_space<vmem>>
        %dma_start3A_308 = arith.constant 0 : i32
        %dma_start3A_309 = arith.constant 0 : i32
        %dma_start3A_310 = tpu.memref_slice %arg3[%dma_start3A_308, %dma_start3A_309] : memref<1015808x16xf32, #tpu.memory_space<hbm>> -> memref<1015808x16xf32, #tpu.memory_space<hbm>>
        tpu.enqueue_indirect_dma source(%dma_start3A_310 : memref<1015808x16xf32, #tpu.memory_space<hbm>>) target(%dma_start3A_304 : memref<40x16xf32, #tpu.memory_space<vmem>>) offsets(%dma_start3A_307 : memref<40xi32, #tpu.memory_space<vmem>>) semaphore(%arg16 : memref<!tpu.dma_semaphore, #tpu.memory_space<semaphore_mem>>)
        %dma_start3A_311 = arith.constant 120 : i32
        %dma_start3A_312 = arith.constant 0 : i32
        %dma_start3A_313 = tpu.memref_slice %arg10[%dma_start3A_311, %dma_start3A_312] : memref<200x16xf32, #tpu.memory_space<vmem>> -> memref<40x16xf32, #tpu.memory_space<vmem>>
        %dma_start3A_314 = arith.constant 120 : i32
        %dma_start3A_315 = tpu.memref_slice %arg6[%add3A_176, %dma_start3A_314] : memref<128x200xi32, #tpu.memory_space<vmem>> -> memref<1x40xi32, #tpu.memory_space<vmem>>
        %dma_start3A_316 = tpu.memref_squeeze %dma_start3A_315 : memref<1x40xi32, #tpu.memory_space<vmem>> -> memref<40xi32, #tpu.memory_space<vmem>>
        %dma_start3A_317 = arith.constant 0 : i32
        %dma_start3A_318 = arith.constant 0 : i32
        %dma_start3A_319 = tpu.memref_slice %arg3[%dma_start3A_317, %dma_start3A_318] : memref<1015808x16xf32, #tpu.memory_space<hbm>> -> memref<1015808x16xf32, #tpu.memory_space<hbm>>
        tpu.enqueue_indirect_dma source(%dma_start3A_319 : memref<1015808x16xf32, #tpu.memory_space<hbm>>) target(%dma_start3A_313 : memref<40x16xf32, #tpu.memory_space<vmem>>) offsets(%dma_start3A_316 : memref<40xi32, #tpu.memory_space<vmem>>) semaphore(%arg16 : memref<!tpu.dma_semaphore, #tpu.memory_space<semaphore_mem>>)
        %dma_start3A_320 = arith.constant 160 : i32
        %dma_start3A_321 = arith.constant 0 : i32
        %dma_start3A_322 = tpu.memref_slice %arg10[%dma_start3A_320, %dma_start3A_321] : memref<200x16xf32, #tpu.memory_space<vmem>> -> memref<40x16xf32, #tpu.memory_space<vmem>>
        %dma_start3A_323 = arith.constant 160 : i32
        %dma_start3A_324 = tpu.memref_slice %arg6[%add3A_176, %dma_start3A_323] : memref<128x200xi32, #tpu.memory_space<vmem>> -> memref<1x40xi32, #tpu.memory_space<vmem>>
        %dma_start3A_325 = tpu.memref_squeeze %dma_start3A_324 : memref<1x40xi32, #tpu.memory_space<vmem>> -> memref<40xi32, #tpu.memory_space<vmem>>
        %dma_start3A_326 = arith.constant 0 : i32
        %dma_start3A_327 = arith.constant 0 : i32
        %dma_start3A_328 = tpu.memref_slice %arg3[%dma_start3A_326, %dma_start3A_327] : memref<1015808x16xf32, #tpu.memory_space<hbm>> -> memref<1015808x16xf32, #tpu.memory_space<hbm>>
        tpu.enqueue_indirect_dma source(%dma_start3A_328 : memref<1015808x16xf32, #tpu.memory_space<hbm>>) target(%dma_start3A_322 : memref<40x16xf32, #tpu.memory_space<vmem>>) offsets(%dma_start3A_325 : memref<40xi32, #tpu.memory_space<vmem>>) semaphore(%arg16 : memref<!tpu.dma_semaphore, #tpu.memory_space<semaphore_mem>>)
      } else {
      }
      %dma_wait3A = arith.constant 0 : i32
      %dma_wait3A_179 = arith.constant 0 : i32
      %dma_wait3A_180 = tpu.memref_slice %arg3[%dma_wait3A, %dma_wait3A_179] : memref<1015808x16xf32, #tpu.memory_space<hbm>> -> memref<200x16xf32, #tpu.memory_space<hbm>>
      %dma_wait3A_181 = arith.constant 0 : i32
      %dma_wait3A_182 = arith.constant 0 : i32
      %dma_wait3A_183 = tpu.memref_slice %arg3[%dma_wait3A_181, %dma_wait3A_182] : memref<1015808x16xf32, #tpu.memory_space<hbm>> -> memref<200x16xf32, #tpu.memory_space<hbm>>
      tpu.wait_dma2 semaphore(%arg13 : memref<!tpu.dma_semaphore, #tpu.memory_space<semaphore_mem>>) src(%dma_wait3A_183 : memref<200x16xf32, #tpu.memory_space<hbm>>) dst(%arg7 : memref<200x16xf32, #tpu.memory_space<vmem>>)
      %add3A_184 = arith.constant 0 : i32
      %add3A_185 = arith.addi %mul3A_172, %add3A_184 : i32
      %scan3A_186 = arith.constant 0 : i32
      %scan3A_187 = arith.constant 200 : i32
      %scan3A_188 = arith.addi %scan3A_186, %scan3A_187 : i32
      %scan3A_189 = arith.constant 8 : i32
      %scan3A_190 = scf.for %scan3A_284 = %scan3A_186 to %scan3A_188 step %scan3A_189 iter_args(%scan3A_285 = %broadcast_in_dim3A_1) -> (vector<16xf32>)  : i32 {
        %get3A_286 = arith.index_cast %scan3A_284 : i32 to index
        %get3A_287 = arith.constant 0 : index
        %get3A_288 = tpu.vector_load %arg7[%get3A_286, %get3A_287] {strides = array<i32>} : memref<200x16xf32, #tpu.memory_space<vmem>>, vector<1x16xf32>,
        %get3A_289 = vector.shape_cast %get3A_288 : vector<1x16xf32> to vector<16xf32>
        %add3A_290 = arith.addf %scan3A_285, %get3A_289 : vector<16xf32>
        %scan3A_291 = arith.constant 1 : i32
        %scan3A_292 = arith.addi %scan3A_284, %scan3A_291 : i32
        %get3A_293 = arith.index_cast %scan3A_292 : i32 to index
        %get3A_294 = arith.constant 0 : index
        %get3A_295 = tpu.vector_load %arg7[%get3A_293, %get3A_294] {strides = array<i32>} : memref<200x16xf32, #tpu.memory_space<vmem>>, vector<1x16xf32>,
        %get3A_296 = vector.shape_cast %get3A_295 : vector<1x16xf32> to vector<16xf32>
        %add3A_297 = arith.addf %add3A_290, %get3A_296 : vector<16xf32>
        %scan3A_298 = arith.constant 2 : i32
        %scan3A_299 = arith.addi %scan3A_284, %scan3A_298 : i32
        %get3A_300 = arith.index_cast %scan3A_299 : i32 to index
        %get3A_301 = arith.constant 0 : index
        %get3A_302 = tpu.vector_load %arg7[%get3A_300, %get3A_301] {strides = array<i32>} : memref<200x16xf32, #tpu.memory_space<vmem>>, vector<1x16xf32>,
        %get3A_303 = vector.shape_cast %get3A_302 : vector<1x16xf32> to vector<16xf32>
        %add3A_304 = arith.addf %add3A_297, %get3A_303 : vector<16xf32>
        %scan3A_305 = arith.constant 3 : i32
        %scan3A_306 = arith.addi %scan3A_284, %scan3A_305 : i32
        %get3A_307 = arith.index_cast %scan3A_306 : i32 to index
        %get3A_308 = arith.constant 0 : index
        %get3A_309 = tpu.vector_load %arg7[%get3A_307, %get3A_308] {strides = array<i32>} : memref<200x16xf32, #tpu.memory_space<vmem>>, vector<1x16xf32>,
        %get3A_310 = vector.shape_cast %get3A_309 : vector<1x16xf32> to vector<16xf32>
        %add3A_311 = arith.addf %add3A_304, %get3A_310 : vector<16xf32>
        %scan3A_312 = arith.constant 4 : i32
        %scan3A_313 = arith.addi %scan3A_284, %scan3A_312 : i32
        %get3A_314 = arith.index_cast %scan3A_313 : i32 to index
        %get3A_315 = arith.constant 0 : index
        %get3A_316 = tpu.vector_load %arg7[%get3A_314, %get3A_315] {strides = array<i32>} : memref<200x16xf32, #tpu.memory_space<vmem>>, vector<1x16xf32>,
        %get3A_317 = vector.shape_cast %get3A_316 : vector<1x16xf32> to vector<16xf32>
        %add3A_318 = arith.addf %add3A_311, %get3A_317 : vector<16xf32>
        %scan3A_319 = arith.constant 5 : i32
        %scan3A_320 = arith.addi %scan3A_284, %scan3A_319 : i32
        %get3A_321 = arith.index_cast %scan3A_320 : i32 to index
        %get3A_322 = arith.constant 0 : index
        %get3A_323 = tpu.vector_load %arg7[%get3A_321, %get3A_322] {strides = array<i32>} : memref<200x16xf32, #tpu.memory_space<vmem>>, vector<1x16xf32>,
        %get3A_324 = vector.shape_cast %get3A_323 : vector<1x16xf32> to vector<16xf32>
        %add3A_325 = arith.addf %add3A_318, %get3A_324 : vector<16xf32>
        %scan3A_326 = arith.constant 6 : i32
        %scan3A_327 = arith.addi %scan3A_284, %scan3A_326 : i32
        %get3A_328 = arith.index_cast %scan3A_327 : i32 to index
        %get3A_329 = arith.constant 0 : index
        %get3A_330 = tpu.vector_load %arg7[%get3A_328, %get3A_329] {strides = array<i32>} : memref<200x16xf32, #tpu.memory_space<vmem>>, vector<1x16xf32>,
        %get3A_331 = vector.shape_cast %get3A_330 : vector<1x16xf32> to vector<16xf32>
        %add3A_332 = arith.addf %add3A_325, %get3A_331 : vector<16xf32>
        %scan3A_333 = arith.constant 7 : i32
        %scan3A_334 = arith.addi %scan3A_284, %scan3A_333 : i32
        %get3A_335 = arith.index_cast %scan3A_334 : i32 to index
        %get3A_336 = arith.constant 0 : index
        %get3A_337 = tpu.vector_load %arg7[%get3A_335, %get3A_336] {strides = array<i32>} : memref<200x16xf32, #tpu.memory_space<vmem>>, vector<1x16xf32>,
        %get3A_338 = vector.shape_cast %get3A_337 : vector<1x16xf32> to vector<16xf32>
        %add3A_339 = arith.addf %add3A_332, %get3A_338 : vector<16xf32>
        scf.yield %add3A_339 : vector<16xf32>
      }
      %scan3A_191 = arith.constant 200 : i32
      %add3A_192 = arith.addf %scan3A_190, %get3A_7 : vector<16xf32>
      %swap3A = arith.index_cast %add3A_185 : i32 to index
      %swap3A_193 = arith.constant 0 : index
      %swap3A_194 = tpu.vector_load %arg11[%swap3A, %swap3A_193] {strides = array<i32>} : memref<128x16xf32, #tpu.memory_space<vmem>>, vector<1x16xf32>,
      %swap3A_195 = vector.shape_cast %swap3A_194 : vector<1x16xf32> to vector<16xf32>
      %swap3A_196 = vector.shape_cast %add3A_192 : vector<16xf32> to vector<1x16xf32>
      tpu.vector_store %arg11[%swap3A, %swap3A_193], %swap3A_196 {strides = array<i32>} : memref<128x16xf32, #tpu.memory_space<vmem>>, vector<1x16xf32>,
      %add3A_197 = arith.constant 1 : i32
      %add3A_198 = arith.addi %mul3A_172, %add3A_197 : i32
      %add3A_199 = arith.constant 3 : i32
      %add3A_200 = arith.addi %add3A_198, %add3A_199 : i32
      %lt3A_201 = arith.constant 128 : i32
      %lt3A_202 = arith.cmpi slt, %add3A_200, %lt3A_201 : i32
      %convert_element_type3A_203 = arith.extui %lt3A_202 : i1 to i32
      %cond3A_204 = arith.constant 0 : i32
      %cond3A_205 = arith.cmpi ne, %convert_element_type3A_203, %cond3A_204 : i32
      scf.if %cond3A_205 {
        %dma_start3A_284 = arith.constant 0 : i32
        %dma_start3A_285 = arith.constant 0 : i32
        %dma_start3A_286 = tpu.memref_slice %arg7[%dma_start3A_284, %dma_start3A_285] : memref<200x16xf32, #tpu.memory_space<vmem>> -> memref<40x16xf32, #tpu.memory_space<vmem>>
        %dma_start3A_287 = arith.constant 0 : i32
        %dma_start3A_288 = tpu.memref_slice %arg6[%add3A_200, %dma_start3A_287] : memref<128x200xi32, #tpu.memory_space<vmem>> -> memref<1x40xi32, #tpu.memory_space<vmem>>
        %dma_start3A_289 = tpu.memref_squeeze %dma_start3A_288 : memref<1x40xi32, #tpu.memory_space<vmem>> -> memref<40xi32, #tpu.memory_space<vmem>>
        %dma_start3A_290 = arith.constant 0 : i32
        %dma_start3A_291 = arith.constant 0 : i32
        %dma_start3A_292 = tpu.memref_slice %arg3[%dma_start3A_290, %dma_start3A_291] : memref<1015808x16xf32, #tpu.memory_space<hbm>> -> memref<1015808x16xf32, #tpu.memory_space<hbm>>
        tpu.enqueue_indirect_dma source(%dma_start3A_292 : memref<1015808x16xf32, #tpu.memory_space<hbm>>) target(%dma_start3A_286 : memref<40x16xf32, #tpu.memory_space<vmem>>) offsets(%dma_start3A_289 : memref<40xi32, #tpu.memory_space<vmem>>) semaphore(%arg13 : memref<!tpu.dma_semaphore, #tpu.memory_space<semaphore_mem>>)
        %dma_start3A_293 = arith.constant 40 : i32
        %dma_start3A_294 = arith.constant 0 : i32
        %dma_start3A_295 = tpu.memref_slice %arg7[%dma_start3A_293, %dma_start3A_294] : memref<200x16xf32, #tpu.memory_space<vmem>> -> memref<40x16xf32, #tpu.memory_space<vmem>>
        %dma_start3A_296 = arith.constant 40 : i32
        %dma_start3A_297 = tpu.memref_slice %arg6[%add3A_200, %dma_start3A_296] : memref<128x200xi32, #tpu.memory_space<vmem>> -> memref<1x40xi32, #tpu.memory_space<vmem>>
        %dma_start3A_298 = tpu.memref_squeeze %dma_start3A_297 : memref<1x40xi32, #tpu.memory_space<vmem>> -> memref<40xi32, #tpu.memory_space<vmem>>
        %dma_start3A_299 = arith.constant 0 : i32
        %dma_start3A_300 = arith.constant 0 : i32
        %dma_start3A_301 = tpu.memref_slice %arg3[%dma_start3A_299, %dma_start3A_300] : memref<1015808x16xf32, #tpu.memory_space<hbm>> -> memref<1015808x16xf32, #tpu.memory_space<hbm>>
        tpu.enqueue_indirect_dma source(%dma_start3A_301 : memref<1015808x16xf32, #tpu.memory_space<hbm>>) target(%dma_start3A_295 : memref<40x16xf32, #tpu.memory_space<vmem>>) offsets(%dma_start3A_298 : memref<40xi32, #tpu.memory_space<vmem>>) semaphore(%arg13 : memref<!tpu.dma_semaphore, #tpu.memory_space<semaphore_mem>>)
        %dma_start3A_302 = arith.constant 80 : i32
        %dma_start3A_303 = arith.constant 0 : i32
        %dma_start3A_304 = tpu.memref_slice %arg7[%dma_start3A_302, %dma_start3A_303] : memref<200x16xf32, #tpu.memory_space<vmem>> -> memref<40x16xf32, #tpu.memory_space<vmem>>
        %dma_start3A_305 = arith.constant 80 : i32
        %dma_start3A_306 = tpu.memref_slice %arg6[%add3A_200, %dma_start3A_305] : memref<128x200xi32, #tpu.memory_space<vmem>> -> memref<1x40xi32, #tpu.memory_space<vmem>>
        %dma_start3A_307 = tpu.memref_squeeze %dma_start3A_306 : memref<1x40xi32, #tpu.memory_space<vmem>> -> memref<40xi32, #tpu.memory_space<vmem>>
        %dma_start3A_308 = arith.constant 0 : i32
        %dma_start3A_309 = arith.constant 0 : i32
        %dma_start3A_310 = tpu.memref_slice %arg3[%dma_start3A_308, %dma_start3A_309] : memref<1015808x16xf32, #tpu.memory_space<hbm>> -> memref<1015808x16xf32, #tpu.memory_space<hbm>>
        tpu.enqueue_indirect_dma source(%dma_start3A_310 : memref<1015808x16xf32, #tpu.memory_space<hbm>>) target(%dma_start3A_304 : memref<40x16xf32, #tpu.memory_space<vmem>>) offsets(%dma_start3A_307 : memref<40xi32, #tpu.memory_space<vmem>>) semaphore(%arg13 : memref<!tpu.dma_semaphore, #tpu.memory_space<semaphore_mem>>)
        %dma_start3A_311 = arith.constant 120 : i32
        %dma_start3A_312 = arith.constant 0 : i32
        %dma_start3A_313 = tpu.memref_slice %arg7[%dma_start3A_311, %dma_start3A_312] : memref<200x16xf32, #tpu.memory_space<vmem>> -> memref<40x16xf32, #tpu.memory_space<vmem>>
        %dma_start3A_314 = arith.constant 120 : i32
        %dma_start3A_315 = tpu.memref_slice %arg6[%add3A_200, %dma_start3A_314] : memref<128x200xi32, #tpu.memory_space<vmem>> -> memref<1x40xi32, #tpu.memory_space<vmem>>
        %dma_start3A_316 = tpu.memref_squeeze %dma_start3A_315 : memref<1x40xi32, #tpu.memory_space<vmem>> -> memref<40xi32, #tpu.memory_space<vmem>>
        %dma_start3A_317 = arith.constant 0 : i32
        %dma_start3A_318 = arith.constant 0 : i32
        %dma_start3A_319 = tpu.memref_slice %arg3[%dma_start3A_317, %dma_start3A_318] : memref<1015808x16xf32, #tpu.memory_space<hbm>> -> memref<1015808x16xf32, #tpu.memory_space<hbm>>
        tpu.enqueue_indirect_dma source(%dma_start3A_319 : memref<1015808x16xf32, #tpu.memory_space<hbm>>) target(%dma_start3A_313 : memref<40x16xf32, #tpu.memory_space<vmem>>) offsets(%dma_start3A_316 : memref<40xi32, #tpu.memory_space<vmem>>) semaphore(%arg13 : memref<!tpu.dma_semaphore, #tpu.memory_space<semaphore_mem>>)
        %dma_start3A_320 = arith.constant 160 : i32
        %dma_start3A_321 = arith.constant 0 : i32
        %dma_start3A_322 = tpu.memref_slice %arg7[%dma_start3A_320, %dma_start3A_321] : memref<200x16xf32, #tpu.memory_space<vmem>> -> memref<40x16xf32, #tpu.memory_space<vmem>>
        %dma_start3A_323 = arith.constant 160 : i32
        %dma_start3A_324 = tpu.memref_slice %arg6[%add3A_200, %dma_start3A_323] : memref<128x200xi32, #tpu.memory_space<vmem>> -> memref<1x40xi32, #tpu.memory_space<vmem>>
        %dma_start3A_325 = tpu.memref_squeeze %dma_start3A_324 : memref<1x40xi32, #tpu.memory_space<vmem>> -> memref<40xi32, #tpu.memory_space<vmem>>
        %dma_start3A_326 = arith.constant 0 : i32
        %dma_start3A_327 = arith.constant 0 : i32
        %dma_start3A_328 = tpu.memref_slice %arg3[%dma_start3A_326, %dma_start3A_327] : memref<1015808x16xf32, #tpu.memory_space<hbm>> -> memref<1015808x16xf32, #tpu.memory_space<hbm>>
        tpu.enqueue_indirect_dma source(%dma_start3A_328 : memref<1015808x16xf32, #tpu.memory_space<hbm>>) target(%dma_start3A_322 : memref<40x16xf32, #tpu.memory_space<vmem>>) offsets(%dma_start3A_325 : memref<40xi32, #tpu.memory_space<vmem>>) semaphore(%arg13 : memref<!tpu.dma_semaphore, #tpu.memory_space<semaphore_mem>>)
      } else {
      }
      %dma_wait3A_206 = arith.constant 0 : i32
      %dma_wait3A_207 = arith.constant 0 : i32
      %dma_wait3A_208 = tpu.memref_slice %arg3[%dma_wait3A_206, %dma_wait3A_207] : memref<1015808x16xf32, #tpu.memory_space<hbm>> -> memref<200x16xf32, #tpu.memory_space<hbm>>
      %dma_wait3A_209 = arith.constant 0 : i32
      %dma_wait3A_210 = arith.constant 0 : i32
      %dma_wait3A_211 = tpu.memref_slice %arg3[%dma_wait3A_209, %dma_wait3A_210] : memref<1015808x16xf32, #tpu.memory_space<hbm>> -> memref<200x16xf32, #tpu.memory_space<hbm>>
      tpu.wait_dma2 semaphore(%arg14 : memref<!tpu.dma_semaphore, #tpu.memory_space<semaphore_mem>>) src(%dma_wait3A_211 : memref<200x16xf32, #tpu.memory_space<hbm>>) dst(%arg8 : memref<200x16xf32, #tpu.memory_space<vmem>>)
      %add3A_212 = arith.constant 1 : i32
      %add3A_213 = arith.addi %mul3A_172, %add3A_212 : i32
      %scan3A_214 = arith.constant 0 : i32
      %scan3A_215 = arith.constant 200 : i32
      %scan3A_216 = arith.addi %scan3A_214, %scan3A_215 : i32
      %scan3A_217 = arith.constant 8 : i32
      %scan3A_218 = scf.for %scan3A_284 = %scan3A_214 to %scan3A_216 step %scan3A_217 iter_args(%scan3A_285 = %broadcast_in_dim3A_1) -> (vector<16xf32>)  : i32 {
        %get3A_286 = arith.index_cast %scan3A_284 : i32 to index
        %get3A_287 = arith.constant 0 : index
        %get3A_288 = tpu.vector_load %arg8[%get3A_286, %get3A_287] {strides = array<i32>} : memref<200x16xf32, #tpu.memory_space<vmem>>, vector<1x16xf32>,
        %get3A_289 = vector.shape_cast %get3A_288 : vector<1x16xf32> to vector<16xf32>
        %add3A_290 = arith.addf %scan3A_285, %get3A_289 : vector<16xf32>
        %scan3A_291 = arith.constant 1 : i32
        %scan3A_292 = arith.addi %scan3A_284, %scan3A_291 : i32
        %get3A_293 = arith.index_cast %scan3A_292 : i32 to index
        %get3A_294 = arith.constant 0 : index
        %get3A_295 = tpu.vector_load %arg8[%get3A_293, %get3A_294] {strides = array<i32>} : memref<200x16xf32, #tpu.memory_space<vmem>>, vector<1x16xf32>,
        %get3A_296 = vector.shape_cast %get3A_295 : vector<1x16xf32> to vector<16xf32>
        %add3A_297 = arith.addf %add3A_290, %get3A_296 : vector<16xf32>
        %scan3A_298 = arith.constant 2 : i32
        %scan3A_299 = arith.addi %scan3A_284, %scan3A_298 : i32
        %get3A_300 = arith.index_cast %scan3A_299 : i32 to index
        %get3A_301 = arith.constant 0 : index
        %get3A_302 = tpu.vector_load %arg8[%get3A_300, %get3A_301] {strides = array<i32>} : memref<200x16xf32, #tpu.memory_space<vmem>>, vector<1x16xf32>,
        %get3A_303 = vector.shape_cast %get3A_302 : vector<1x16xf32> to vector<16xf32>
        %add3A_304 = arith.addf %add3A_297, %get3A_303 : vector<16xf32>
        %scan3A_305 = arith.constant 3 : i32
        %scan3A_306 = arith.addi %scan3A_284, %scan3A_305 : i32
        %get3A_307 = arith.index_cast %scan3A_306 : i32 to index
        %get3A_308 = arith.constant 0 : index
        %get3A_309 = tpu.vector_load %arg8[%get3A_307, %get3A_308] {strides = array<i32>} : memref<200x16xf32, #tpu.memory_space<vmem>>, vector<1x16xf32>,
        %get3A_310 = vector.shape_cast %get3A_309 : vector<1x16xf32> to vector<16xf32>
        %add3A_311 = arith.addf %add3A_304, %get3A_310 : vector<16xf32>
        %scan3A_312 = arith.constant 4 : i32
        %scan3A_313 = arith.addi %scan3A_284, %scan3A_312 : i32
        %get3A_314 = arith.index_cast %scan3A_313 : i32 to index
        %get3A_315 = arith.constant 0 : index
        %get3A_316 = tpu.vector_load %arg8[%get3A_314, %get3A_315] {strides = array<i32>} : memref<200x16xf32, #tpu.memory_space<vmem>>, vector<1x16xf32>,
        %get3A_317 = vector.shape_cast %get3A_316 : vector<1x16xf32> to vector<16xf32>
        %add3A_318 = arith.addf %add3A_311, %get3A_317 : vector<16xf32>
        %scan3A_319 = arith.constant 5 : i32
        %scan3A_320 = arith.addi %scan3A_284, %scan3A_319 : i32
        %get3A_321 = arith.index_cast %scan3A_320 : i32 to index
        %get3A_322 = arith.constant 0 : index
        %get3A_323 = tpu.vector_load %arg8[%get3A_321, %get3A_322] {strides = array<i32>} : memref<200x16xf32, #tpu.memory_space<vmem>>, vector<1x16xf32>,
        %get3A_324 = vector.shape_cast %get3A_323 : vector<1x16xf32> to vector<16xf32>
        %add3A_325 = arith.addf %add3A_318, %get3A_324 : vector<16xf32>
        %scan3A_326 = arith.constant 6 : i32
        %scan3A_327 = arith.addi %scan3A_284, %scan3A_326 : i32
        %get3A_328 = arith.index_cast %scan3A_327 : i32 to index
        %get3A_329 = arith.constant 0 : index
        %get3A_330 = tpu.vector_load %arg8[%get3A_328, %get3A_329] {strides = array<i32>} : memref<200x16xf32, #tpu.memory_space<vmem>>, vector<1x16xf32>,
        %get3A_331 = vector.shape_cast %get3A_330 : vector<1x16xf32> to vector<16xf32>
        %add3A_332 = arith.addf %add3A_325, %get3A_331 : vector<16xf32>
        %scan3A_333 = arith.constant 7 : i32
        %scan3A_334 = arith.addi %scan3A_284, %scan3A_333 : i32
        %get3A_335 = arith.index_cast %scan3A_334 : i32 to index
        %get3A_336 = arith.constant 0 : index
        %get3A_337 = tpu.vector_load %arg8[%get3A_335, %get3A_336] {strides = array<i32>} : memref<200x16xf32, #tpu.memory_space<vmem>>, vector<1x16xf32>,
        %get3A_338 = vector.shape_cast %get3A_337 : vector<1x16xf32> to vector<16xf32>
        %add3A_339 = arith.addf %add3A_332, %get3A_338 : vector<16xf32>
        scf.yield %add3A_339 : vector<16xf32>
      }
      %scan3A_219 = arith.constant 200 : i32
      %add3A_220 = arith.addf %scan3A_218, %get3A_7 : vector<16xf32>
      %swap3A_221 = arith.index_cast %add3A_213 : i32 to index
      %swap3A_222 = arith.constant 0 : index
      %swap3A_223 = tpu.vector_load %arg11[%swap3A_221, %swap3A_222] {strides = array<i32>} : memref<128x16xf32, #tpu.memory_space<vmem>>, vector<1x16xf32>,
      %swap3A_224 = vector.shape_cast %swap3A_223 : vector<1x16xf32> to vector<16xf32>
      %swap3A_225 = vector.shape_cast %add3A_220 : vector<16xf32> to vector<1x16xf32>
      tpu.vector_store %arg11[%swap3A_221, %swap3A_222], %swap3A_225 {strides = array<i32>} : memref<128x16xf32, #tpu.memory_space<vmem>>, vector<1x16xf32>,
      %add3A_226 = arith.constant 2 : i32
      %add3A_227 = arith.addi %mul3A_172, %add3A_226 : i32
      %add3A_228 = arith.constant 3 : i32
      %add3A_229 = arith.addi %add3A_227, %add3A_228 : i32
      %lt3A_230 = arith.constant 128 : i32
      %lt3A_231 = arith.cmpi slt, %add3A_229, %lt3A_230 : i32
      %convert_element_type3A_232 = arith.extui %lt3A_231 : i1 to i32
      %cond3A_233 = arith.constant 0 : i32
      %cond3A_234 = arith.cmpi ne, %convert_element_type3A_232, %cond3A_233 : i32
      scf.if %cond3A_234 {
        %dma_start3A_284 = arith.constant 0 : i32
        %dma_start3A_285 = arith.constant 0 : i32
        %dma_start3A_286 = tpu.memref_slice %arg8[%dma_start3A_284, %dma_start3A_285] : memref<200x16xf32, #tpu.memory_space<vmem>> -> memref<40x16xf32, #tpu.memory_space<vmem>>
        %dma_start3A_287 = arith.constant 0 : i32
        %dma_start3A_288 = tpu.memref_slice %arg6[%add3A_229, %dma_start3A_287] : memref<128x200xi32, #tpu.memory_space<vmem>> -> memref<1x40xi32, #tpu.memory_space<vmem>>
        %dma_start3A_289 = tpu.memref_squeeze %dma_start3A_288 : memref<1x40xi32, #tpu.memory_space<vmem>> -> memref<40xi32, #tpu.memory_space<vmem>>
        %dma_start3A_290 = arith.constant 0 : i32
        %dma_start3A_291 = arith.constant 0 : i32
        %dma_start3A_292 = tpu.memref_slice %arg3[%dma_start3A_290, %dma_start3A_291] : memref<1015808x16xf32, #tpu.memory_space<hbm>> -> memref<1015808x16xf32, #tpu.memory_space<hbm>>
        tpu.enqueue_indirect_dma source(%dma_start3A_292 : memref<1015808x16xf32, #tpu.memory_space<hbm>>) target(%dma_start3A_286 : memref<40x16xf32, #tpu.memory_space<vmem>>) offsets(%dma_start3A_289 : memref<40xi32, #tpu.memory_space<vmem>>) semaphore(%arg14 : memref<!tpu.dma_semaphore, #tpu.memory_space<semaphore_mem>>)
        %dma_start3A_293 = arith.constant 40 : i32
        %dma_start3A_294 = arith.constant 0 : i32
        %dma_start3A_295 = tpu.memref_slice %arg8[%dma_start3A_293, %dma_start3A_294] : memref<200x16xf32, #tpu.memory_space<vmem>> -> memref<40x16xf32, #tpu.memory_space<vmem>>
        %dma_start3A_296 = arith.constant 40 : i32
        %dma_start3A_297 = tpu.memref_slice %arg6[%add3A_229, %dma_start3A_296] : memref<128x200xi32, #tpu.memory_space<vmem>> -> memref<1x40xi32, #tpu.memory_space<vmem>>
        %dma_start3A_298 = tpu.memref_squeeze %dma_start3A_297 : memref<1x40xi32, #tpu.memory_space<vmem>> -> memref<40xi32, #tpu.memory_space<vmem>>
        %dma_start3A_299 = arith.constant 0 : i32
        %dma_start3A_300 = arith.constant 0 : i32
        %dma_start3A_301 = tpu.memref_slice %arg3[%dma_start3A_299, %dma_start3A_300] : memref<1015808x16xf32, #tpu.memory_space<hbm>> -> memref<1015808x16xf32, #tpu.memory_space<hbm>>
        tpu.enqueue_indirect_dma source(%dma_start3A_301 : memref<1015808x16xf32, #tpu.memory_space<hbm>>) target(%dma_start3A_295 : memref<40x16xf32, #tpu.memory_space<vmem>>) offsets(%dma_start3A_298 : memref<40xi32, #tpu.memory_space<vmem>>) semaphore(%arg14 : memref<!tpu.dma_semaphore, #tpu.memory_space<semaphore_mem>>)
        %dma_start3A_302 = arith.constant 80 : i32
        %dma_start3A_303 = arith.constant 0 : i32
        %dma_start3A_304 = tpu.memref_slice %arg8[%dma_start3A_302, %dma_start3A_303] : memref<200x16xf32, #tpu.memory_space<vmem>> -> memref<40x16xf32, #tpu.memory_space<vmem>>
        %dma_start3A_305 = arith.constant 80 : i32
        %dma_start3A_306 = tpu.memref_slice %arg6[%add3A_229, %dma_start3A_305] : memref<128x200xi32, #tpu.memory_space<vmem>> -> memref<1x40xi32, #tpu.memory_space<vmem>>
        %dma_start3A_307 = tpu.memref_squeeze %dma_start3A_306 : memref<1x40xi32, #tpu.memory_space<vmem>> -> memref<40xi32, #tpu.memory_space<vmem>>
        %dma_start3A_308 = arith.constant 0 : i32
        %dma_start3A_309 = arith.constant 0 : i32
        %dma_start3A_310 = tpu.memref_slice %arg3[%dma_start3A_308, %dma_start3A_309] : memref<1015808x16xf32, #tpu.memory_space<hbm>> -> memref<1015808x16xf32, #tpu.memory_space<hbm>>
        tpu.enqueue_indirect_dma source(%dma_start3A_310 : memref<1015808x16xf32, #tpu.memory_space<hbm>>) target(%dma_start3A_304 : memref<40x16xf32, #tpu.memory_space<vmem>>) offsets(%dma_start3A_307 : memref<40xi32, #tpu.memory_space<vmem>>) semaphore(%arg14 : memref<!tpu.dma_semaphore, #tpu.memory_space<semaphore_mem>>)
        %dma_start3A_311 = arith.constant 120 : i32
        %dma_start3A_312 = arith.constant 0 : i32
        %dma_start3A_313 = tpu.memref_slice %arg8[%dma_start3A_311, %dma_start3A_312] : memref<200x16xf32, #tpu.memory_space<vmem>> -> memref<40x16xf32, #tpu.memory_space<vmem>>
        %dma_start3A_314 = arith.constant 120 : i32
        %dma_start3A_315 = tpu.memref_slice %arg6[%add3A_229, %dma_start3A_314] : memref<128x200xi32, #tpu.memory_space<vmem>> -> memref<1x40xi32, #tpu.memory_space<vmem>>
        %dma_start3A_316 = tpu.memref_squeeze %dma_start3A_315 : memref<1x40xi32, #tpu.memory_space<vmem>> -> memref<40xi32, #tpu.memory_space<vmem>>
        %dma_start3A_317 = arith.constant 0 : i32
        %dma_start3A_318 = arith.constant 0 : i32
        %dma_start3A_319 = tpu.memref_slice %arg3[%dma_start3A_317, %dma_start3A_318] : memref<1015808x16xf32, #tpu.memory_space<hbm>> -> memref<1015808x16xf32, #tpu.memory_space<hbm>>
        tpu.enqueue_indirect_dma source(%dma_start3A_319 : memref<1015808x16xf32, #tpu.memory_space<hbm>>) target(%dma_start3A_313 : memref<40x16xf32, #tpu.memory_space<vmem>>) offsets(%dma_start3A_316 : memref<40xi32, #tpu.memory_space<vmem>>) semaphore(%arg14 : memref<!tpu.dma_semaphore, #tpu.memory_space<semaphore_mem>>)
        %dma_start3A_320 = arith.constant 160 : i32
        %dma_start3A_321 = arith.constant 0 : i32
        %dma_start3A_322 = tpu.memref_slice %arg8[%dma_start3A_320, %dma_start3A_321] : memref<200x16xf32, #tpu.memory_space<vmem>> -> memref<40x16xf32, #tpu.memory_space<vmem>>
        %dma_start3A_323 = arith.constant 160 : i32
        %dma_start3A_324 = tpu.memref_slice %arg6[%add3A_229, %dma_start3A_323] : memref<128x200xi32, #tpu.memory_space<vmem>> -> memref<1x40xi32, #tpu.memory_space<vmem>>
        %dma_start3A_325 = tpu.memref_squeeze %dma_start3A_324 : memref<1x40xi32, #tpu.memory_space<vmem>> -> memref<40xi32, #tpu.memory_space<vmem>>
        %dma_start3A_326 = arith.constant 0 : i32
        %dma_start3A_327 = arith.constant 0 : i32
        %dma_start3A_328 = tpu.memref_slice %arg3[%dma_start3A_326, %dma_start3A_327] : memref<1015808x16xf32, #tpu.memory_space<hbm>> -> memref<1015808x16xf32, #tpu.memory_space<hbm>>
        tpu.enqueue_indirect_dma source(%dma_start3A_328 : memref<1015808x16xf32, #tpu.memory_space<hbm>>) target(%dma_start3A_322 : memref<40x16xf32, #tpu.memory_space<vmem>>) offsets(%dma_start3A_325 : memref<40xi32, #tpu.memory_space<vmem>>) semaphore(%arg14 : memref<!tpu.dma_semaphore, #tpu.memory_space<semaphore_mem>>)
      } else {
      }
      %dma_wait3A_235 = arith.constant 0 : i32
      %dma_wait3A_236 = arith.constant 0 : i32
      %dma_wait3A_237 = tpu.memref_slice %arg3[%dma_wait3A_235, %dma_wait3A_236] : memref<1015808x16xf32, #tpu.memory_space<hbm>> -> memref<200x16xf32, #tpu.memory_space<hbm>>
      %dma_wait3A_238 = arith.constant 0 : i32
      %dma_wait3A_239 = arith.constant 0 : i32
      %dma_wait3A_240 = tpu.memref_slice %arg3[%dma_wait3A_238, %dma_wait3A_239] : memref<1015808x16xf32, #tpu.memory_space<hbm>> -> memref<200x16xf32, #tpu.memory_space<hbm>>
      tpu.wait_dma2 semaphore(%arg15 : memref<!tpu.dma_semaphore, #tpu.memory_space<semaphore_mem>>) src(%dma_wait3A_240 : memref<200x16xf32, #tpu.memory_space<hbm>>) dst(%arg9 : memref<200x16xf32, #tpu.memory_space<vmem>>)
      %add3A_241 = arith.constant 2 : i32
      %add3A_242 = arith.addi %mul3A_172, %add3A_241 : i32
      %scan3A_243 = arith.constant 0 : i32
      %scan3A_244 = arith.constant 200 : i32
      %scan3A_245 = arith.addi %scan3A_243, %scan3A_244 : i32
      %scan3A_246 = arith.constant 8 : i32
      %scan3A_247 = scf.for %scan3A_284 = %scan3A_243 to %scan3A_245 step %scan3A_246 iter_args(%scan3A_285 = %broadcast_in_dim3A_1) -> (vector<16xf32>)  : i32 {
        %get3A_286 = arith.index_cast %scan3A_284 : i32 to index
        %get3A_287 = arith.constant 0 : index
        %get3A_288 = tpu.vector_load %arg9[%get3A_286, %get3A_287] {strides = array<i32>} : memref<200x16xf32, #tpu.memory_space<vmem>>, vector<1x16xf32>,
        %get3A_289 = vector.shape_cast %get3A_288 : vector<1x16xf32> to vector<16xf32>
        %add3A_290 = arith.addf %scan3A_285, %get3A_289 : vector<16xf32>
        %scan3A_291 = arith.constant 1 : i32
        %scan3A_292 = arith.addi %scan3A_284, %scan3A_291 : i32
        %get3A_293 = arith.index_cast %scan3A_292 : i32 to index
        %get3A_294 = arith.constant 0 : index
        %get3A_295 = tpu.vector_load %arg9[%get3A_293, %get3A_294] {strides = array<i32>} : memref<200x16xf32, #tpu.memory_space<vmem>>, vector<1x16xf32>,
        %get3A_296 = vector.shape_cast %get3A_295 : vector<1x16xf32> to vector<16xf32>
        %add3A_297 = arith.addf %add3A_290, %get3A_296 : vector<16xf32>
        %scan3A_298 = arith.constant 2 : i32
        %scan3A_299 = arith.addi %scan3A_284, %scan3A_298 : i32
        %get3A_300 = arith.index_cast %scan3A_299 : i32 to index
        %get3A_301 = arith.constant 0 : index
        %get3A_302 = tpu.vector_load %arg9[%get3A_300, %get3A_301] {strides = array<i32>} : memref<200x16xf32, #tpu.memory_space<vmem>>, vector<1x16xf32>,
        %get3A_303 = vector.shape_cast %get3A_302 : vector<1x16xf32> to vector<16xf32>
        %add3A_304 = arith.addf %add3A_297, %get3A_303 : vector<16xf32>
        %scan3A_305 = arith.constant 3 : i32
        %scan3A_306 = arith.addi %scan3A_284, %scan3A_305 : i32
        %get3A_307 = arith.index_cast %scan3A_306 : i32 to index
        %get3A_308 = arith.constant 0 : index
        %get3A_309 = tpu.vector_load %arg9[%get3A_307, %get3A_308] {strides = array<i32>} : memref<200x16xf32, #tpu.memory_space<vmem>>, vector<1x16xf32>,
        %get3A_310 = vector.shape_cast %get3A_309 : vector<1x16xf32> to vector<16xf32>
        %add3A_311 = arith.addf %add3A_304, %get3A_310 : vector<16xf32>
        %scan3A_312 = arith.constant 4 : i32
        %scan3A_313 = arith.addi %scan3A_284, %scan3A_312 : i32
        %get3A_314 = arith.index_cast %scan3A_313 : i32 to index
        %get3A_315 = arith.constant 0 : index
        %get3A_316 = tpu.vector_load %arg9[%get3A_314, %get3A_315] {strides = array<i32>} : memref<200x16xf32, #tpu.memory_space<vmem>>, vector<1x16xf32>,
        %get3A_317 = vector.shape_cast %get3A_316 : vector<1x16xf32> to vector<16xf32>
        %add3A_318 = arith.addf %add3A_311, %get3A_317 : vector<16xf32>
        %scan3A_319 = arith.constant 5 : i32
        %scan3A_320 = arith.addi %scan3A_284, %scan3A_319 : i32
        %get3A_321 = arith.index_cast %scan3A_320 : i32 to index
        %get3A_322 = arith.constant 0 : index
        %get3A_323 = tpu.vector_load %arg9[%get3A_321, %get3A_322] {strides = array<i32>} : memref<200x16xf32, #tpu.memory_space<vmem>>, vector<1x16xf32>,
        %get3A_324 = vector.shape_cast %get3A_323 : vector<1x16xf32> to vector<16xf32>
        %add3A_325 = arith.addf %add3A_318, %get3A_324 : vector<16xf32>
        %scan3A_326 = arith.constant 6 : i32
        %scan3A_327 = arith.addi %scan3A_284, %scan3A_326 : i32
        %get3A_328 = arith.index_cast %scan3A_327 : i32 to index
        %get3A_329 = arith.constant 0 : index
        %get3A_330 = tpu.vector_load %arg9[%get3A_328, %get3A_329] {strides = array<i32>} : memref<200x16xf32, #tpu.memory_space<vmem>>, vector<1x16xf32>,
        %get3A_331 = vector.shape_cast %get3A_330 : vector<1x16xf32> to vector<16xf32>
        %add3A_332 = arith.addf %add3A_325, %get3A_331 : vector<16xf32>
        %scan3A_333 = arith.constant 7 : i32
        %scan3A_334 = arith.addi %scan3A_284, %scan3A_333 : i32
        %get3A_335 = arith.index_cast %scan3A_334 : i32 to index
        %get3A_336 = arith.constant 0 : index
        %get3A_337 = tpu.vector_load %arg9[%get3A_335, %get3A_336] {strides = array<i32>} : memref<200x16xf32, #tpu.memory_space<vmem>>, vector<1x16xf32>,
        %get3A_338 = vector.shape_cast %get3A_337 : vector<1x16xf32> to vector<16xf32>
        %add3A_339 = arith.addf %add3A_332, %get3A_338 : vector<16xf32>
        scf.yield %add3A_339 : vector<16xf32>
      }
      %scan3A_248 = arith.constant 200 : i32
      %add3A_249 = arith.addf %scan3A_247, %get3A_7 : vector<16xf32>
      %swap3A_250 = arith.index_cast %add3A_242 : i32 to index
      %swap3A_251 = arith.constant 0 : index
      %swap3A_252 = tpu.vector_load %arg11[%swap3A_250, %swap3A_251] {strides = array<i32>} : memref<128x16xf32, #tpu.memory_space<vmem>>, vector<1x16xf32>,
      %swap3A_253 = vector.shape_cast %swap3A_252 : vector<1x16xf32> to vector<16xf32>
      %swap3A_254 = vector.shape_cast %add3A_249 : vector<16xf32> to vector<1x16xf32>
      tpu.vector_store %arg11[%swap3A_250, %swap3A_251], %swap3A_254 {strides = array<i32>} : memref<128x16xf32, #tpu.memory_space<vmem>>, vector<1x16xf32>,
      %add3A_255 = arith.constant 3 : i32
      %add3A_256 = arith.addi %mul3A_172, %add3A_255 : i32
      %add3A_257 = arith.constant 3 : i32
      %add3A_258 = arith.addi %add3A_256, %add3A_257 : i32
      %lt3A_259 = arith.constant 128 : i32
      %lt3A_260 = arith.cmpi slt, %add3A_258, %lt3A_259 : i32
      %convert_element_type3A_261 = arith.extui %lt3A_260 : i1 to i32
      %cond3A_262 = arith.constant 0 : i32
      %cond3A_263 = arith.cmpi ne, %convert_element_type3A_261, %cond3A_262 : i32
      scf.if %cond3A_263 {
        %dma_start3A_284 = arith.constant 0 : i32
        %dma_start3A_285 = arith.constant 0 : i32
        %dma_start3A_286 = tpu.memref_slice %arg9[%dma_start3A_284, %dma_start3A_285] : memref<200x16xf32, #tpu.memory_space<vmem>> -> memref<40x16xf32, #tpu.memory_space<vmem>>
        %dma_start3A_287 = arith.constant 0 : i32
        %dma_start3A_288 = tpu.memref_slice %arg6[%add3A_258, %dma_start3A_287] : memref<128x200xi32, #tpu.memory_space<vmem>> -> memref<1x40xi32, #tpu.memory_space<vmem>>
        %dma_start3A_289 = tpu.memref_squeeze %dma_start3A_288 : memref<1x40xi32, #tpu.memory_space<vmem>> -> memref<40xi32, #tpu.memory_space<vmem>>
        %dma_start3A_290 = arith.constant 0 : i32
        %dma_start3A_291 = arith.constant 0 : i32
        %dma_start3A_292 = tpu.memref_slice %arg3[%dma_start3A_290, %dma_start3A_291] : memref<1015808x16xf32, #tpu.memory_space<hbm>> -> memref<1015808x16xf32, #tpu.memory_space<hbm>>
        tpu.enqueue_indirect_dma source(%dma_start3A_292 : memref<1015808x16xf32, #tpu.memory_space<hbm>>) target(%dma_start3A_286 : memref<40x16xf32, #tpu.memory_space<vmem>>) offsets(%dma_start3A_289 : memref<40xi32, #tpu.memory_space<vmem>>) semaphore(%arg15 : memref<!tpu.dma_semaphore, #tpu.memory_space<semaphore_mem>>)
        %dma_start3A_293 = arith.constant 40 : i32
        %dma_start3A_294 = arith.constant 0 : i32
        %dma_start3A_295 = tpu.memref_slice %arg9[%dma_start3A_293, %dma_start3A_294] : memref<200x16xf32, #tpu.memory_space<vmem>> -> memref<40x16xf32, #tpu.memory_space<vmem>>
        %dma_start3A_296 = arith.constant 40 : i32
        %dma_start3A_297 = tpu.memref_slice %arg6[%add3A_258, %dma_start3A_296] : memref<128x200xi32, #tpu.memory_space<vmem>> -> memref<1x40xi32, #tpu.memory_space<vmem>>
        %dma_start3A_298 = tpu.memref_squeeze %dma_start3A_297 : memref<1x40xi32, #tpu.memory_space<vmem>> -> memref<40xi32, #tpu.memory_space<vmem>>
        %dma_start3A_299 = arith.constant 0 : i32
        %dma_start3A_300 = arith.constant 0 : i32
        %dma_start3A_301 = tpu.memref_slice %arg3[%dma_start3A_299, %dma_start3A_300] : memref<1015808x16xf32, #tpu.memory_space<hbm>> -> memref<1015808x16xf32, #tpu.memory_space<hbm>>
        tpu.enqueue_indirect_dma source(%dma_start3A_301 : memref<1015808x16xf32, #tpu.memory_space<hbm>>) target(%dma_start3A_295 : memref<40x16xf32, #tpu.memory_space<vmem>>) offsets(%dma_start3A_298 : memref<40xi32, #tpu.memory_space<vmem>>) semaphore(%arg15 : memref<!tpu.dma_semaphore, #tpu.memory_space<semaphore_mem>>)
        %dma_start3A_302 = arith.constant 80 : i32
        %dma_start3A_303 = arith.constant 0 : i32
        %dma_start3A_304 = tpu.memref_slice %arg9[%dma_start3A_302, %dma_start3A_303] : memref<200x16xf32, #tpu.memory_space<vmem>> -> memref<40x16xf32, #tpu.memory_space<vmem>>
        %dma_start3A_305 = arith.constant 80 : i32
        %dma_start3A_306 = tpu.memref_slice %arg6[%add3A_258, %dma_start3A_305] : memref<128x200xi32, #tpu.memory_space<vmem>> -> memref<1x40xi32, #tpu.memory_space<vmem>>
        %dma_start3A_307 = tpu.memref_squeeze %dma_start3A_306 : memref<1x40xi32, #tpu.memory_space<vmem>> -> memref<40xi32, #tpu.memory_space<vmem>>
        %dma_start3A_308 = arith.constant 0 : i32
        %dma_start3A_309 = arith.constant 0 : i32
        %dma_start3A_310 = tpu.memref_slice %arg3[%dma_start3A_308, %dma_start3A_309] : memref<1015808x16xf32, #tpu.memory_space<hbm>> -> memref<1015808x16xf32, #tpu.memory_space<hbm>>
        tpu.enqueue_indirect_dma source(%dma_start3A_310 : memref<1015808x16xf32, #tpu.memory_space<hbm>>) target(%dma_start3A_304 : memref<40x16xf32, #tpu.memory_space<vmem>>) offsets(%dma_start3A_307 : memref<40xi32, #tpu.memory_space<vmem>>) semaphore(%arg15 : memref<!tpu.dma_semaphore, #tpu.memory_space<semaphore_mem>>)
        %dma_start3A_311 = arith.constant 120 : i32
        %dma_start3A_312 = arith.constant 0 : i32
        %dma_start3A_313 = tpu.memref_slice %arg9[%dma_start3A_311, %dma_start3A_312] : memref<200x16xf32, #tpu.memory_space<vmem>> -> memref<40x16xf32, #tpu.memory_space<vmem>>
        %dma_start3A_314 = arith.constant 120 : i32
        %dma_start3A_315 = tpu.memref_slice %arg6[%add3A_258, %dma_start3A_314] : memref<128x200xi32, #tpu.memory_space<vmem>> -> memref<1x40xi32, #tpu.memory_space<vmem>>
        %dma_start3A_316 = tpu.memref_squeeze %dma_start3A_315 : memref<1x40xi32, #tpu.memory_space<vmem>> -> memref<40xi32, #tpu.memory_space<vmem>>
        %dma_start3A_317 = arith.constant 0 : i32
        %dma_start3A_318 = arith.constant 0 : i32
        %dma_start3A_319 = tpu.memref_slice %arg3[%dma_start3A_317, %dma_start3A_318] : memref<1015808x16xf32, #tpu.memory_space<hbm>> -> memref<1015808x16xf32, #tpu.memory_space<hbm>>
        tpu.enqueue_indirect_dma source(%dma_start3A_319 : memref<1015808x16xf32, #tpu.memory_space<hbm>>) target(%dma_start3A_313 : memref<40x16xf32, #tpu.memory_space<vmem>>) offsets(%dma_start3A_316 : memref<40xi32, #tpu.memory_space<vmem>>) semaphore(%arg15 : memref<!tpu.dma_semaphore, #tpu.memory_space<semaphore_mem>>)
        %dma_start3A_320 = arith.constant 160 : i32
        %dma_start3A_321 = arith.constant 0 : i32
        %dma_start3A_322 = tpu.memref_slice %arg9[%dma_start3A_320, %dma_start3A_321] : memref<200x16xf32, #tpu.memory_space<vmem>> -> memref<40x16xf32, #tpu.memory_space<vmem>>
        %dma_start3A_323 = arith.constant 160 : i32
        %dma_start3A_324 = tpu.memref_slice %arg6[%add3A_258, %dma_start3A_323] : memref<128x200xi32, #tpu.memory_space<vmem>> -> memref<1x40xi32, #tpu.memory_space<vmem>>
        %dma_start3A_325 = tpu.memref_squeeze %dma_start3A_324 : memref<1x40xi32, #tpu.memory_space<vmem>> -> memref<40xi32, #tpu.memory_space<vmem>>
        %dma_start3A_326 = arith.constant 0 : i32
        %dma_start3A_327 = arith.constant 0 : i32
        %dma_start3A_328 = tpu.memref_slice %arg3[%dma_start3A_326, %dma_start3A_327] : memref<1015808x16xf32, #tpu.memory_space<hbm>> -> memref<1015808x16xf32, #tpu.memory_space<hbm>>
        tpu.enqueue_indirect_dma source(%dma_start3A_328 : memref<1015808x16xf32, #tpu.memory_space<hbm>>) target(%dma_start3A_322 : memref<40x16xf32, #tpu.memory_space<vmem>>) offsets(%dma_start3A_325 : memref<40xi32, #tpu.memory_space<vmem>>) semaphore(%arg15 : memref<!tpu.dma_semaphore, #tpu.memory_space<semaphore_mem>>)
      } else {
      }
      %dma_wait3A_264 = arith.constant 0 : i32
      %dma_wait3A_265 = arith.constant 0 : i32
      %dma_wait3A_266 = tpu.memref_slice %arg3[%dma_wait3A_264, %dma_wait3A_265] : memref<1015808x16xf32, #tpu.memory_space<hbm>> -> memref<200x16xf32, #tpu.memory_space<hbm>>
      %dma_wait3A_267 = arith.constant 0 : i32
      %dma_wait3A_268 = arith.constant 0 : i32
      %dma_wait3A_269 = tpu.memref_slice %arg3[%dma_wait3A_267, %dma_wait3A_268] : memref<1015808x16xf32, #tpu.memory_space<hbm>> -> memref<200x16xf32, #tpu.memory_space<hbm>>
      tpu.wait_dma2 semaphore(%arg16 : memref<!tpu.dma_semaphore, #tpu.memory_space<semaphore_mem>>) src(%dma_wait3A_269 : memref<200x16xf32, #tpu.memory_space<hbm>>) dst(%arg10 : memref<200x16xf32, #tpu.memory_space<vmem>>)
      %add3A_270 = arith.constant 3 : i32
      %add3A_271 = arith.addi %mul3A_172, %add3A_270 : i32
      %scan3A_272 = arith.constant 0 : i32
      %scan3A_273 = arith.constant 200 : i32
      %scan3A_274 = arith.addi %scan3A_272, %scan3A_273 : i32
      %scan3A_275 = arith.constant 8 : i32
      %scan3A_276 = scf.for %scan3A_284 = %scan3A_272 to %scan3A_274 step %scan3A_275 iter_args(%scan3A_285 = %broadcast_in_dim3A_1) -> (vector<16xf32>)  : i32 {
        %get3A_286 = arith.index_cast %scan3A_284 : i32 to index
        %get3A_287 = arith.constant 0 : index
        %get3A_288 = tpu.vector_load %arg10[%get3A_286, %get3A_287] {strides = array<i32>} : memref<200x16xf32, #tpu.memory_space<vmem>>, vector<1x16xf32>,
        %get3A_289 = vector.shape_cast %get3A_288 : vector<1x16xf32> to vector<16xf32>
        %add3A_290 = arith.addf %scan3A_285, %get3A_289 : vector<16xf32>
        %scan3A_291 = arith.constant 1 : i32
        %scan3A_292 = arith.addi %scan3A_284, %scan3A_291 : i32
        %get3A_293 = arith.index_cast %scan3A_292 : i32 to index
        %get3A_294 = arith.constant 0 : index
        %get3A_295 = tpu.vector_load %arg10[%get3A_293, %get3A_294] {strides = array<i32>} : memref<200x16xf32, #tpu.memory_space<vmem>>, vector<1x16xf32>,
        %get3A_296 = vector.shape_cast %get3A_295 : vector<1x16xf32> to vector<16xf32>
        %add3A_297 = arith.addf %add3A_290, %get3A_296 : vector<16xf32>
        %scan3A_298 = arith.constant 2 : i32
        %scan3A_299 = arith.addi %scan3A_284, %scan3A_298 : i32
        %get3A_300 = arith.index_cast %scan3A_299 : i32 to index
        %get3A_301 = arith.constant 0 : index
        %get3A_302 = tpu.vector_load %arg10[%get3A_300, %get3A_301] {strides = array<i32>} : memref<200x16xf32, #tpu.memory_space<vmem>>, vector<1x16xf32>,
        %get3A_303 = vector.shape_cast %get3A_302 : vector<1x16xf32> to vector<16xf32>
        %add3A_304 = arith.addf %add3A_297, %get3A_303 : vector<16xf32>
        %scan3A_305 = arith.constant 3 : i32
        %scan3A_306 = arith.addi %scan3A_284, %scan3A_305 : i32
        %get3A_307 = arith.index_cast %scan3A_306 : i32 to index
        %get3A_308 = arith.constant 0 : index
        %get3A_309 = tpu.vector_load %arg10[%get3A_307, %get3A_308] {strides = array<i32>} : memref<200x16xf32, #tpu.memory_space<vmem>>, vector<1x16xf32>,
        %get3A_310 = vector.shape_cast %get3A_309 : vector<1x16xf32> to vector<16xf32>
        %add3A_311 = arith.addf %add3A_304, %get3A_310 : vector<16xf32>
        %scan3A_312 = arith.constant 4 : i32
        %scan3A_313 = arith.addi %scan3A_284, %scan3A_312 : i32
        %get3A_314 = arith.index_cast %scan3A_313 : i32 to index
        %get3A_315 = arith.constant 0 : index
        %get3A_316 = tpu.vector_load %arg10[%get3A_314, %get3A_315] {strides = array<i32>} : memref<200x16xf32, #tpu.memory_space<vmem>>, vector<1x16xf32>,
        %get3A_317 = vector.shape_cast %get3A_316 : vector<1x16xf32> to vector<16xf32>
        %add3A_318 = arith.addf %add3A_311, %get3A_317 : vector<16xf32>
        %scan3A_319 = arith.constant 5 : i32
        %scan3A_320 = arith.addi %scan3A_284, %scan3A_319 : i32
        %get3A_321 = arith.index_cast %scan3A_320 : i32 to index
        %get3A_322 = arith.constant 0 : index
        %get3A_323 = tpu.vector_load %arg10[%get3A_321, %get3A_322] {strides = array<i32>} : memref<200x16xf32, #tpu.memory_space<vmem>>, vector<1x16xf32>,
        %get3A_324 = vector.shape_cast %get3A_323 : vector<1x16xf32> to vector<16xf32>
        %add3A_325 = arith.addf %add3A_318, %get3A_324 : vector<16xf32>
        %scan3A_326 = arith.constant 6 : i32
        %scan3A_327 = arith.addi %scan3A_284, %scan3A_326 : i32
        %get3A_328 = arith.index_cast %scan3A_327 : i32 to index
        %get3A_329 = arith.constant 0 : index
        %get3A_330 = tpu.vector_load %arg10[%get3A_328, %get3A_329] {strides = array<i32>} : memref<200x16xf32, #tpu.memory_space<vmem>>, vector<1x16xf32>,
        %get3A_331 = vector.shape_cast %get3A_330 : vector<1x16xf32> to vector<16xf32>
        %add3A_332 = arith.addf %add3A_325, %get3A_331 : vector<16xf32>
        %scan3A_333 = arith.constant 7 : i32
        %scan3A_334 = arith.addi %scan3A_284, %scan3A_333 : i32
        %get3A_335 = arith.index_cast %scan3A_334 : i32 to index
        %get3A_336 = arith.constant 0 : index
        %get3A_337 = tpu.vector_load %arg10[%get3A_335, %get3A_336] {strides = array<i32>} : memref<200x16xf32, #tpu.memory_space<vmem>>, vector<1x16xf32>,
        %get3A_338 = vector.shape_cast %get3A_337 : vector<1x16xf32> to vector<16xf32>
        %add3A_339 = arith.addf %add3A_332, %get3A_338 : vector<16xf32>
        scf.yield %add3A_339 : vector<16xf32>
      }
      %scan3A_277 = arith.constant 200 : i32
      %add3A_278 = arith.addf %scan3A_276, %get3A_7 : vector<16xf32>
      %swap3A_279 = arith.index_cast %add3A_271 : i32 to index
      %swap3A_280 = arith.constant 0 : index
      %swap3A_281 = tpu.vector_load %arg11[%swap3A_279, %swap3A_280] {strides = array<i32>} : memref<128x16xf32, #tpu.memory_space<vmem>>, vector<1x16xf32>,
      %swap3A_282 = vector.shape_cast %swap3A_281 : vector<1x16xf32> to vector<16xf32>
      %swap3A_283 = vector.shape_cast %add3A_278 : vector<16xf32> to vector<1x16xf32>
      tpu.vector_store %arg11[%swap3A_279, %swap3A_280], %swap3A_283 {strides = array<i32>} : memref<128x16xf32, #tpu.memory_space<vmem>>, vector<1x16xf32>,
    }
    %scan3A_167 = arith.constant 32 : i32
    %mul3A_168 = arith.constant 128 : i32
    %mul3A_169 = arith.muli %add3A, %mul3A_168 : i32
    "tpu.region"() ({
      %run_scoped3A = tpu.sem_alloc : memref<!tpu.dma_semaphore, #tpu.memory_space<semaphore_mem>>
      %dma_start3A_170 = arith.constant 0 : i32
      %dma_start3A_171 = tpu.memref_slice %arg5[%mul3A_169, %dma_start3A_170] : memref<4096x16xf32, #tpu.memory_space<hbm>> -> memref<128x16xf32, #tpu.memory_space<hbm>>
      %dma_start3A_172 = arith.constant 0 : i32
      %dma_start3A_173 = tpu.memref_slice %arg5[%mul3A_169, %dma_start3A_172] : memref<4096x16xf32, #tpu.memory_space<hbm>> -> memref<128x16xf32, #tpu.memory_space<hbm>>
      tpu.enqueue_dma source(%arg11 : memref<128x16xf32, #tpu.memory_space<vmem>>) target(%dma_start3A_173 : memref<128x16xf32, #tpu.memory_space<hbm>>) target_semaphore(%run_scoped3A : memref<!tpu.dma_semaphore, #tpu.memory_space<semaphore_mem>>)
      %dma_wait3A = arith.constant 0 : i32
      %dma_wait3A_174 = tpu.memref_slice %arg5[%mul3A_169, %dma_wait3A] : memref<4096x16xf32, #tpu.memory_space<hbm>> -> memref<128x16xf32, #tpu.memory_space<hbm>>
      %dma_wait3A_175 = arith.constant 0 : i32
      %dma_wait3A_176 = tpu.memref_slice %arg5[%mul3A_169, %dma_wait3A_175] : memref<4096x16xf32, #tpu.memory_space<hbm>> -> memref<128x16xf32, #tpu.memory_space<hbm>>
      tpu.wait_dma2 semaphore(%run_scoped3A : memref<!tpu.dma_semaphore, #tpu.memory_space<semaphore_mem>>) src(%arg11 : memref<128x16xf32, #tpu.memory_space<vmem>>) dst(%dma_wait3A_176 : memref<128x16xf32, #tpu.memory_space<hbm>>)
      tpu.yield
    }) : () -> ()
    return
  }
}

module attributes {stable_mosaic.version = 14 : i64} {
  func.func @body(%arg0: i32, %arg1: memref<64x32768xf32, #tpu.memory_space<vmem>>, %arg2: memref<16x64xf32, #tpu.memory_space<vmem>>, %arg3: memref<4096x128xf32, #tpu.memory_space<vmem>>) attributes {dimension_semantics = [#tpu.dimension_semantics<arbitrary>], iteration_bounds = array<i64: 31>, scalar_prefetch = 0 : i64, scratch_operands = 0 : i64, tpu.core_type = #tpu.core_type<tc>, window_params = [{transform_indices = @transform_0, window_bounds = array<i64: 64, 32768>}, {pipeline_mode = #tpu.pipeline_mode<synchronous>, transform_indices = @transform_1, window_bounds = array<i64: 16, 64>}, {transform_indices = @transform_2, window_bounds = array<i64: 4096, 128>}]} {
    %get3A = arith.constant 0 : index
    %get3A_0 = arith.constant 0 : index
    %get3A_1 = vector.load %arg2[%get3A, %get3A_0] : memref<16x64xf32, #tpu.memory_space<vmem>>, vector<16x64xf32>
    %get3A_2 = arith.constant 0 : index
    %get3A_3 = arith.constant 0 : index
    %get3A_4 = vector.load %arg1[%get3A_2, %get3A_3] : memref<64x32768xf32, #tpu.memory_space<vmem>>, vector<64x32768xf32>
    %dot_general3A = arith.constant dense<0.000000e+00> : vector<16x32768xf32>
    %dot_general3A_5 = tpu.matmul %get3A_1, %get3A_4, %dot_general3A {dimension_numbers = #tpu.dot_dimension_numbers<[1], [0], [0], [1], [0, 0, 1, 1], [], []>, transpose_lhs_hint = false} : vector<16x64xf32>, vector<64x32768xf32>, vector<16x32768xf32> -> vector<16x32768xf32>
    %slice3A = vector.extract_strided_slice %dot_general3A_5 {offsets = [0, 0], sizes = [16, 2048], strides = [1, 1]} : vector<16x32768xf32> to vector<16x2048xf32>
    %slice3A_6 = vector.extract_strided_slice %dot_general3A_5 {offsets = [0, 2048], sizes = [16, 2048], strides = [1, 1]} : vector<16x32768xf32> to vector<16x2048xf32>
    %slice3A_7 = vector.extract_strided_slice %dot_general3A_5 {offsets = [0, 4096], sizes = [16, 2048], strides = [1, 1]} : vector<16x32768xf32> to vector<16x2048xf32>
    %slice3A_8 = vector.extract_strided_slice %dot_general3A_5 {offsets = [0, 6144], sizes = [16, 2048], strides = [1, 1]} : vector<16x32768xf32> to vector<16x2048xf32>
    %slice3A_9 = vector.extract_strided_slice %dot_general3A_5 {offsets = [0, 8192], sizes = [16, 2048], strides = [1, 1]} : vector<16x32768xf32> to vector<16x2048xf32>
    %slice3A_10 = vector.extract_strided_slice %dot_general3A_5 {offsets = [0, 10240], sizes = [16, 2048], strides = [1, 1]} : vector<16x32768xf32> to vector<16x2048xf32>
    %slice3A_11 = vector.extract_strided_slice %dot_general3A_5 {offsets = [0, 12288], sizes = [16, 2048], strides = [1, 1]} : vector<16x32768xf32> to vector<16x2048xf32>
    %slice3A_12 = vector.extract_strided_slice %dot_general3A_5 {offsets = [0, 14336], sizes = [16, 2048], strides = [1, 1]} : vector<16x32768xf32> to vector<16x2048xf32>
    %slice3A_13 = vector.extract_strided_slice %dot_general3A_5 {offsets = [0, 16384], sizes = [16, 2048], strides = [1, 1]} : vector<16x32768xf32> to vector<16x2048xf32>
    %slice3A_14 = vector.extract_strided_slice %dot_general3A_5 {offsets = [0, 18432], sizes = [16, 2048], strides = [1, 1]} : vector<16x32768xf32> to vector<16x2048xf32>
    %slice3A_15 = vector.extract_strided_slice %dot_general3A_5 {offsets = [0, 20480], sizes = [16, 2048], strides = [1, 1]} : vector<16x32768xf32> to vector<16x2048xf32>
    %slice3A_16 = vector.extract_strided_slice %dot_general3A_5 {offsets = [0, 22528], sizes = [16, 2048], strides = [1, 1]} : vector<16x32768xf32> to vector<16x2048xf32>
    %slice3A_17 = vector.extract_strided_slice %dot_general3A_5 {offsets = [0, 24576], sizes = [16, 2048], strides = [1, 1]} : vector<16x32768xf32> to vector<16x2048xf32>
    %slice3A_18 = vector.extract_strided_slice %dot_general3A_5 {offsets = [0, 26624], sizes = [16, 2048], strides = [1, 1]} : vector<16x32768xf32> to vector<16x2048xf32>
    %slice3A_19 = vector.extract_strided_slice %dot_general3A_5 {offsets = [0, 28672], sizes = [16, 2048], strides = [1, 1]} : vector<16x32768xf32> to vector<16x2048xf32>
    %slice3A_20 = vector.extract_strided_slice %dot_general3A_5 {offsets = [0, 30720], sizes = [16, 2048], strides = [1, 1]} : vector<16x32768xf32> to vector<16x2048xf32>
    %concatenate3A = tpu.concatenate %slice3A, %slice3A_6, %slice3A_7, %slice3A_8, %slice3A_9, %slice3A_10, %slice3A_11, %slice3A_12, %slice3A_13, %slice3A_14, %slice3A_15, %slice3A_16, %slice3A_17, %slice3A_18, %slice3A_19, %slice3A_20 in 0 : vector<16x2048xf32>, vector<16x2048xf32>, vector<16x2048xf32>, vector<16x2048xf32>, vector<16x2048xf32>, vector<16x2048xf32>, vector<16x2048xf32>, vector<16x2048xf32>, vector<16x2048xf32>, vector<16x2048xf32>, vector<16x2048xf32>, vector<16x2048xf32>, vector<16x2048xf32>, vector<16x2048xf32>, vector<16x2048xf32>, vector<16x2048xf32> -> vector<256x2048xf32>
    %transpose3A = tpu.transpose %concatenate3A, [1, 0] : vector<256x2048xf32> -> vector<2048x256xf32>
    %slice3A_21 = vector.extract_strided_slice %transpose3A {offsets = [0, 0], sizes = [2048, 128], strides = [1, 1]} : vector<2048x256xf32> to vector<2048x128xf32>
    %swap3A = arith.constant 0 : index
    %swap3A_22 = arith.constant 0 : index
    %swap3A_23 = vector.load %arg3[%swap3A, %swap3A_22] : memref<4096x128xf32, #tpu.memory_space<vmem>>, vector<2048x128xf32>
    tpu.vector_store %arg3[%swap3A, %swap3A_22], %slice3A_21 {strides = array<i32>} : memref<4096x128xf32, #tpu.memory_space<vmem>>, vector<2048x128xf32>,
    %slice3A_24 = vector.extract_strided_slice %transpose3A {offsets = [0, 128], sizes = [2048, 128], strides = [1, 1]} : vector<2048x256xf32> to vector<2048x128xf32>
    %swap3A_25 = arith.constant 2048 : index
    %swap3A_26 = arith.constant 0 : index
    %swap3A_27 = vector.load %arg3[%swap3A_25, %swap3A_26] : memref<4096x128xf32, #tpu.memory_space<vmem>>, vector<2048x128xf32>
    tpu.vector_store %arg3[%swap3A_25, %swap3A_26], %slice3A_24 {strides = array<i32>} : memref<4096x128xf32, #tpu.memory_space<vmem>>, vector<2048x128xf32>,
    return
  }
  func.func @transform_0(%arg0: i32) -> (i32, i32) {
    %c0_i32 = arith.constant 0 : i32
    %c0_i32_0 = arith.constant 0 : i32
    return %c0_i32, %arg0 : i32, i32
  }
  func.func @transform_1(%arg0: i32) -> (i32, i32) {
    %c0_i32 = arith.constant 0 : i32
    %c0_i32_0 = arith.constant 0 : i32
    %c0_i32_1 = arith.constant 0 : i32
    return %c0_i32, %c0_i32_0 : i32, i32
  }
  func.func @transform_2(%arg0: i32) -> (i32, i32) {
    %c0_i32 = arith.constant 0 : i32
    %c0_i32_0 = arith.constant 0 : i32
    return %arg0, %c0_i32 : i32, i32
  }
}

</mosaic_0001>

<sc_bundles>
// kernel: kernel.4.cloned.1.call-start
scs
__scs_entry_jumppad:
0x0: {  	(pc) =	sbr.rel $0x88, $3  }
0x1: {  	(tag) =	ssettag $0x0;
	lr =	simm.s32 $0x1  }
0x2: {  	[smem:$0x3F9D] =	sst lr;
	_ =	strace $0xD0000000  }
0x3: {  	_ = 	snop  }
0x4: {  	_ = 	snop  }
0x5: {  	_ = 	snop  }
0x6: {  	_ = 	snop  }
0x7: {  	_ = 	snop  }
__scs_overlays_trampoline_lowered:
0x8: {  	[smem:$0x3FAC] =	sst s0  }
0x9: {  	[smem:$0x3FAD] =	sst s1  }
0xa: {  	[smem:$0x3FAE] =	sst s2  }
0xb: {  	[smem:$0x3FAF] =	sst s3  }
0xc: {  	[smem:$0x3FB0] =	sst s4  }
0xd: {  	[smem:$0x3FB1] =	sst s5  }
0xe: {  	[smem:$0x3FB2] =	sst s6  }
0xf: {  	[smem:$0x3FB3] =	sst s7  }
0x10: {  	[smem:$0x3FB4] =	sst s8  }
0x11: {  	[smem:$0x3FB5] =	sst s9;
	s0 =	simm.s32 @!p0 $0x0  }
0x12: {  	s1 =	sld [smem:$0x3F9B];
	s0 =	simm.s32 @p0 $0x1  }
0x13: {  	[smem:$0x3FB6] =	sst s0;
	s0 =	simm.s32 @!p1 $0x0  }
0x14: {  	s2 =	sld [smem:$0x3F9A];
	s0 =	simm.s32 @p1 $0x1  }
0x15: {  	[smem:$0x3FB7] =	sst s0;
	s0 =	simm.s32 @!p2 $0x0  }
0x16: {  	s3 =	sld [smem:$0x3FDB];
	s0 =	simm.s32 @p2 $0x1  }
0x17: {  	s4 =	simm.s32 $0x1BF5;
	[smem:$0x3FB9] =	sst s0  }
0x18: {  	s0 =	sld [smem:$0x3F9C];
	_ =	swait.ge [sflag:s4], $0x0  }
0x19: {  	s7 =	sld [smem:$0x3F9D]  }
0x1a: {  	s8 =	sadd.s32 $0xFFFFE003, lr  }
0x1b: {  	s9 =	sadd.s32 $0xFFFFFEF7, lr;
	s5 =	simm.s32 $0xFFFFFFFF;
	p2 =	slt.u32 s8, $0xFFFFF086  }
0x1c: {  	p1 =	slt.u32 s9, $0xF7A;
	s5 =	simm.s32 @!p2 $0x0  }
0x1d: {  	s5 =	simm.s32 @p1 $0x1;
	p0 =	seq.s32 s7, s2  }
0x1e: {  	s7 =	smul.u32 @!p0 $0xF7A, s2;
	p2 =	seq.s32 @!p0 s5, $0x0  }
0x1f: {  	s9 =	smul.u32 $0xF7A, s1;
	s8 =	simm.s32 @!p0 $0x1BF5;
	p2 =	por !p2, p0  }
0x20: {  	[sflag:s8] =	ssyncset.s32 @!p0 $0xFFFFF086;
	s6 =	sadd.s32 @!p0 s3, s7;
	s7 =	simm.s32 @!p0 $0x108  }
0x21: {  	s3 =	sadd.s32 s3, s9;
	s6 =	sadd.s32 @!p0 $0x88, s6;
	s7 =	simm.s32 @p2 $0x1082  }
0x22: {  	[simem:s7], [sflag:s8] =	dma.local @!p0 [hbm:s6], $0xF7A  }
0x23: {  	s9 =	sor.u32 $0xD0000000, s2;
	s6 =	simm.s32 $0x108;
	_ =	swait.ge @!p0 [sflag:s8], $0x0  }
0x24: {  	s3 =	sadd.s32 $0x88, s3;
	s6 =	simm.s32 @!p1 $0x1082;
	[sflag:s4] =	ssyncset.s32 $0xFFFFF086  }
0x25: {  	[simem:s6], [sflag:s4] =	dma.local [hbm:s3], $0xF7A  }
0x26: {  	[smem:$0x3F9D] =	sst s1;
	(tag) =	ssettag s2;
	_ =	strace s9  }
0x27: {  	s1 =	sld [smem:$0x3FAD]  }
0x28: {  	s2 =	sld [smem:$0x3FAE]  }
0x29: {  	s4 =	sld [smem:$0x3FB0]  }
0x2a: {  	p0 =	seq.s32 s5, $0x0;
	s5 =	sld [smem:$0x3FB1]  }
0x2b: {  	s6 =	sld [smem:$0x3FB2]  }
0x2c: {  	s7 =	sld [smem:$0x3FB3]  }
0x2d: {  	s3 =	simm.s32 $0x108;
	s8 =	sld [smem:$0x3FB4]  }
0x2e: {  	s3 =	simm.s32 @!p0 $0x1082;
	s9 =	sld [smem:$0x3FB5]  }
0x2f: {  	lr =	sadd.s32 s0, s3;
	s0 =	sld [smem:$0x3FAC]  }
0x30: {  	s3 =	sld [smem:$0x3FAF]  }
0x31: {  	[smem:$0x3FB8] =	sst s10  }
0x32: {  	s10 =	sld [smem:$0x3FB6];
	_ =	sdelay $0x3  }
0x33: {  	p0 =	seq.s32 s10, $0x1;
	s10 =	sld [smem:$0x3FB8];
	_ =	sdelay $0x3  }
0x34: {  	[smem:$0x3FB8] =	sst s10  }
0x35: {  	s10 =	sld [smem:$0x3FB7];
	_ =	sdelay $0x3  }
0x36: {  	p1 =	seq.s32 s10, $0x1;
	s10 =	sld [smem:$0x3FB8];
	_ =	sdelay $0x3  }
0x37: {  	[smem:$0x3FB8] =	sst s10  }
0x38: {  	s10 =	sld [smem:$0x3FB9]  }
0x39: {  	_ = 	snop;
	(pc) =	sbr.ind lr, $3  }
0x3a: {  	_ = 	snop  }
0x3b: {  	_ = 	snop  }
0x3c: {  	p2 =	seq.s32 s10, $0x1;
	s10 =	sld [smem:$0x3FB8]  }
0x3d: {  	_ =	shalt  }
0x3e: {  	_ =	shalt  }
0x3f: {  	_ =	shalt  }
0x40: {  	_ =	shalt  }
0x41: {  	_ =	shalt  }
0x42: {  	_ =	shalt  }
0x43: {  	_ =	shalt  }
0x44: {  	_ =	shalt  }
0x45: {  	_ =	shalt  }
0x46: {  	_ =	shalt  }
0x47: {  	_ =	shalt  }
0x48: {  	_ =	shalt  }
0x49: {  	_ =	shalt  }
0x4a: {  	_ =	shalt  }
0x4b: {  	_ =	shalt  }
0x4c: {  	_ =	shalt  }
0x4d: {  	_ =	shalt  }
0x4e: {  	_ =	shalt  }
0x4f: {  	_ =	shalt  }
0x50: {  	_ =	shalt  }
0x51: {  	_ =	shalt  }
0x52: {  	_ =	shalt  }
0x53: {  	_ =	shalt  }
0x54: {  	_ =	shalt  }
0x55: {  	_ =	shalt  }
0x56: {  	_ =	shalt  }
0x57: {  	_ =	shalt  }
0x58: {  	_ =	shalt  }
0x59: {  	_ =	shalt  }
0x5a: {  	_ =	shalt  }
0x5b: {  	_ =	shalt  }
0x5c: {  	_ =	shalt  }
0x5d: {  	_ =	shalt  }
0x5e: {  	_ =	shalt  }
0x5f: {  	_ =	shalt  }
0x60: {  	_ =	shalt  }
0x61: {  	_ =	shalt  }
0x62: {  	_ =	shalt  }
0x63: {  	_ =	shalt  }
0x64: {  	_ =	shalt  }
0x65: {  	_ =	shalt  }
0x66: {  	_ =	shalt  }
0x67: {  	_ =	shalt  }
0x68: {  	_ =	shalt  }
0x69: {  	_ =	shalt  }
0x6a: {  	_ =	shalt  }
0x6b: {  	_ =	shalt  }
0x6c: {  	_ =	shalt  }
0x6d: {  	_ =	shalt  }
0x6e: {  	_ =	shalt  }
0x6f: {  	_ =	shalt  }
0x70: {  	_ =	shalt  }
0x71: {  	_ =	shalt  }
0x72: {  	_ =	shalt  }
0x73: {  	_ =	shalt  }
0x74: {  	_ =	shalt  }
0x75: {  	_ =	shalt  }
0x76: {  	_ =	shalt  }
0x77: {  	_ =	shalt  }
0x78: {  	_ =	shalt  }
0x79: {  	_ =	shalt  }
0x7a: {  	_ =	shalt  }
0x7b: {  	_ =	shalt  }
0x7c: {  	_ =	shalt  }
0x7d: {  	_ =	shalt  }
0x7e: {  	_ =	shalt  }
0x7f: {  	_ =	shalt  }
0x80: {  	_ =	shalt  }
0x81: {  	_ =	shalt  }
0x82: {  	_ =	shalt  }
0x83: {  	_ =	shalt  }
0x84: {  	_ =	shalt  }
0x85: {  	_ =	shalt  }
0x86: {  	_ =	shalt  }
0x87: {  	_ =	shalt  }
.Lfunc_end0:
.L_simem_size_0:
called_computation_lowered:
.L_overlay_start_0:
0x88: {  	s2 =	sld [smem:$0x3FD9]  }
0x89: {  	s3 =	sld [smem:$0x3FFE];
	_ =	sdelay $0x1  }
0x8a: {  	s1 =	srdreg.scid  }
0x8b: {  	s0 =	sand.u32 $0x1, s1  }
0x8c: {  	s17 =	sshll.u32 s0, $0xA;
	s2 =	sadd.s32 s3, s2  }
0x8d: {  	s2 =	sadd.s32 s2, s17  }
0x8e: {  	[smem:$0x3FC4] =	sst s2  }
0x8f: {  	_ = 	snop  }
0x90: {  	s2 =	sld [smem:$0x3FC6]  }
0x91: {  	s18 =	sld [smem:$0x3FD0];
	(tm) =	ssettm $0x1  }
0x92: {  	s4 =	sld [smem:$0x3FFB];
	_ =	sdelay $0x3  }
0x93: {  	_ =	strace s4  }
0x94: {  	s4 =	sld [smem:$0x3FFC];
	_ =	sdelay $0x3  }
0x95: {  	_ =	strace s4  }
0x96: {  	s4 =	sld [smem:$0x3FFD];
	_ =	sdelay $0x3  }
0x97: {  	_ =	strace s4  }
0x98: {  	_ =	strace $0x8FFFFFFF  }
0x99: {  	s19 =	sld [smem:$0x3FDB];
	_ =	sdelay $0x1  }
0x9a: {  	s5 =	simm.s32 $_scs_section_size  }
0x9b: {  	s6 =	simm.s32 $_size__tile_overlayer_lowered;
	s7 =	simm.s32 $_tile_overlayer_lowered  }
0x9c: {  	s22 =	simm.s32 $0x1BFF;
	s21 =	sshll.u32 s7, $0x1;
	s4 =	sadd.s32 s5, s19  }
0x9d: {  	s8 =	simm.s32 $0x0;
	s20 =	sshll.u32 s6, $0x1;
	s6 =	sadd.s32 s21, s4  }
0x9e: {  	[timem:s8], [sflag:s22] =	dma.local [hbm:s6], s20  }
0x9f: {  	_ =	swait.ge [sflag:s22], s20  }
0xa0: {  	s5 =	ssub.s32 $0x0, s20;
	[sflag:s22] =	ssyncset.done $0x0  }
0xa1: {  	[sflag:s22] =	ssyncadd.s32 s5;
	_ =	sdelay $0x1  }
0xa2: {  	s23 =	simm.s32 $0x1B8B  }
0xa3: {  	_ =	swait.ge [sflag:s23], $0x1  }
0xa4: {  	[sflag:s23] =	ssyncset.done $0x0  }
0xa5: {  	s25 =	simm.s32 $0x1B8E;
	s24 =	sld [smem:$0x3FFE];
	[sflag:s23] =	ssyncadd.s32 $0xFFFFFFFF  }
0xa6: {  	s26 =	simm.s32 $execute0_lowered;
	[smem:$0x3FD2] =	sst s25  }
0xa7: {  	s6 =	sshll.u32 s26, $0x1;
	_ =	strace $0x80000046;
	[dreg:$0x1] =	wrdreg $0xFFFFFFFF  }
0xa8: {  	s28 =	simm.s32 $_size_execute0_lowered;
	s4 =	sadd.s32 s4, s6;
	[dreg:$0x0] =	wrdreg $0x0  }
0xa9: {  	s6 =	sshll.u32 s28, $0x1;
	[dreg:$0x2] =	wrdreg s4  }
0xaa: {  	[dreg:$0x3] =	wrdreg s6  }
0xab: {  	[dreg:$0x4] =	wrdreg $0xC0  }
0xac: {  	_ =	task [dreg:s8], $0x5FFFF  }
0xad: {  	[dreg:$0x1] =	wrdreg $0xFFFFFFFF  }
0xae: {  	[dreg:$0x0] =	wrdreg $0x60  }
0xaf: {  	[dreg:$0x2] =	wrdreg s24  }
0xb0: {  	[dreg:$0x3] =	wrdreg s2  }
0xb1: {  	[dreg:$0x4] =	wrdreg s18  }
0xb2: {  	[dreg:$0x5] =	wrdreg $0x9  }
0xb3: {  	_ =	task.clear_ibuf [dreg:s8], $0x6FFFF;
	_ =	strace $0x90000046  }
0xb4: {  	s29 =	simm.s32 $0x9;
	_ =	strace $0x80000048  }
0xb5: {  	_ =	swait.ge [sflag:s29], $0x1  }
0xb6: {  	[sflag:s29] =	ssyncadd.s32 $0xFFFFFFFF  }
0xb7: {  	_ =	strace $0x90000048  }
0xb8: {  	_ =	sfence  }
0xb9: {  	s30 =	sld [smem:$0x0];
	_ =	sdelay $0x2  }
0xba: {  	s31 =	sshll.u32 s1, $0xD;
	s1 =	sshrl.u32 s1, $0x2  }
0xbb: {  	s3 =	sand.u32 $0x4000, s31;
	s1 =	sadd.s32 s1, s30  }
0xbc: {  	s0 =	sor.u32 s3, s0;
	s1 =	sshll.u32 s1, $0x11  }
0xbd: {  	s0 =	sor.u32 s1, s0  }
0xbe: {  	s0 =	sadd.s32 $0x8F2B, s0  }
0xbf: {  	[sflag:s0] =	ssyncadd.remote.s32 $0x1  }
0xc0: {  	_ =	sfence.sel $0xFFFF  }
0xc1: {  	[dreg:$0x0] =	wrdreg $0xFFFFFFFF;
	(pc) =	sbr.abs _section_cstart, $3  }
0xc2: {  	[dreg:$0x1] =	wrdreg $0xFFFFFFFF  }
0xc3: {  	_ =	task.clear_ibuf [dreg:s8], $0x2FFFF;
	_ =	strace $0x9FFFFFFF  }
0xc4: {  	(tm) =	ssettm $0x7FFFFFFF  }
0xc5: {  	_ =	shalt  }
tec
execute0_lowered:
.L_overlay_start_1:
0x0: {  	(tag) =	ssettag $0x1  }
0x1: {  	s0 =	srdreg.scid;
	s1 =	rddreg [dreg:$0x0]  }
0x2: {  	s2 =	stileid.u32;
	s6 =	rddreg [dreg:$0x2]  }
0x3: {  	s9 =	simm.s32 $0x5;
	s10 =	simm.s32 $0x28;
	s8 =	simm.s32 $0x8200  }
0x4: {  	s11 =	simm.s32 $0x208;
	s12 =	simm.s32 $0x8480;
	s13 =	simm.s32 $0x230  }
0x5: {  	s14 =	simm.s32 $0x8700;
	s15 =	simm.s32 $0x8980;
	s16 =	simm.s32 $0x8C00  }
0x6: {  	s17 =	simm.s32 $0x8E80;
	s18 =	simm.s32 $0x9100;
	s19 =	simm.s32 $0x9380  }
0x7: {  	s20 =	simm.s32 $0x1;
	s21 =	simm.s32 $0x2;
	s22 =	simm.s32 $0x3  }
0x8: {  	s23 =	simm.s32 $0x4;
	s24 =	simm.s32 $0x9600;
	s0 =	sand.u32 $0x1, s0  }
0x9: {  	s25 =	simm.s32 $0x0;
	s2 =	sshll.u32 s2, $0x8;
	s3 =	sshll.u32 s0, $0x7  }
0xa: {  	s0 =	ssub.s32 $0x2, s0;
	s2 =	sor.u32 s3, s2;
	s3 =	simm.s32 $0x0  }
0xb: {  	s7 =	sshrl.u32 s0, $0x1;
	s4 =	smul.u32 $0x19, s2;
	[smem:$0x7FF] =	sst s3  }
0xc: {  	s0 =	ssub.s32 s0, s7;
	s31 =	sshll.u32 s2, $0x1;
	s2 =	simm.s32 $0x1E0  }
0xd: {  	_ =	strace $0x80000047;
	s6 =	sadd.s32 s6, s31;
	s5 =	sadd.s32 s4, s1  }
0xe: {  	vm0 =	vmmov $0xff;
	s7 =	smax.u32 s0, $0x1;
	s4 =	sadd.s32 $0x19400, s1;
	s5 =	sadd.s32 $0x400, s5  }
.LBB2_1:
0xf: {  	s0 =	rddreg [dreg:$0x1];
	s1 =	simm.s32 $0x9E00  }
0x10: {  	[tilespmem:s1], [sflag:$0x5] =	stream.linear.gather [hbm4b:s0+s3], $0x10, $0x38;
	[tilespmem:$0x9E10] =	vst v63  }
0x11: {  	_ =	swait.ge [sflag:s9], $0x10  }
0x12: {  	[sflag:s9] =	ssyncset.done $0x0  }
0x13: {  	[sflag:s9] =	ssyncadd.s32 $0xFFFFFFF0  }
0x14: {  	[tilespmem:s3], [sflag:$0x5] =	stream.linear.gather [hbm4b:s5+s3], $0x6400, $0x38;
	[tilespmem:$0x9E10] =	vst v63  }
0x15: {  	_ =	swait.ge [sflag:s9], $0x6400  }
0x16: {  	[sflag:s9] =	ssyncset.done $0x0  }
0x17: {  	s26 =	simm.s32 $0x0;
	[sflag:s9] =	ssyncadd.s32 $0xFFFF9C00  }
0x18: {  	v0 =	vld [tilespmem:s26+$0x90]  }
0x19: {  	v1 =	vld [tilespmem:s26+$0xA0]  }
0x1a: {  	v2 =	vld [tilespmem:s26+$0x50]  }
0x1b: {  	v3 =	vld [tilespmem:s26+$0x70]  }
0x1c: {  	v4 =	vld [tilespmem:s26+$0x80]  }
0x1d: {  	v5 =	vld [tilespmem:s26+$0x20]  }
0x1e: {  	v6 =	vld [tilespmem:s26+$0x60]  }
0x1f: {  	v9 =	vld [tilespmem:s26+$0x40]  }
0x20: {  	v16 =	vld [tilespmem:s26+$0x0];
	v7 =	vshll.u32 v0, $0x3  }
0x21: {  	v8 =	vshrl.u32 v0, $0xB;
	v10 =	vshll.u32 v2, $0x3;
	v11 =	vand.u32 $0xFFFFC000, v0  }
0x22: {  	v12 =	vshrl.u32 v1, $0xB;
	v13 =	vshll.u32 v1, $0x3;
	v14 =	vand.u32 $0xFFFFC000, v2  }
0x23: {  	v15 =	vshll.u32 v5, $0x3;
	v2 =	vshrl.u32 v2, $0xB;
	v17 =	vshrl.u32 v6, $0xB  }
0x24: {  	v18 =	vshrl.u32 v4, $0xB;
	v19 =	vand.u32 $0xFFFFC000, v6;
	v20 =	vand.u32 $0xFFFFC000, v3  }
0x25: {  	v21 =	vshll.u32 v9, $0x3;
	v55 =	vand.u32 $0xFFFFC000, v16;
	v1 =	vand.u32 $0xFFFFC000, v1  }
0x26: {  	v23 =	vld [tilespmem:s26+$0x30];
	v6 =	vshll.u32 v6, $0x3;
	v7 =	vand.u32 $0x3FF8, v7;
	v8 =	vand.u32 $0x7, v8  }
0x27: {  	v0 =	vand.u32 $0x3FF8, v10;
	v10 =	vshll.u32 v4, $0x3;
	v2 =	vand.u32 $0x7, v2  }
0x28: {  	v13 =	vand.u32 $0x3FF8, v13;
	v21 =	vand.u32 $0x3FF8, v21;
	v6 =	vand.u32 $0x3FF8, v6  }
0x29: {  	v14 =	vor.u32 v14, v0;
	v7 =	vor.u32 v11, v7;
	v1 =	vor.u32 v1, v13  }
0x2a: {  	v6 =	vor.u32 v19, v6;
	v2 =	vor.u32 v2, v14;
	v14 =	vshrl.u32 v9, $0xB  }
0x2b: {  	v11 =	vshll.u32 v23, $0x3;
	v9 =	vand.u32 $0xFFFFC000, v9;
	v14 =	vand.u32 $0x7, v14  }
0x2c: {  	v0 =	vld [tilespmem:$0x9E00];
	v9 =	vor.u32 v9, v21;
	[tilespmem:s26+$0x50] =	vst v2;
	v2 =	vand.u32 $0xFFFFC000, v4;
	v4 =	vor.u32 v8, v7  }
0x2d: {  	v7 =	vshll.u32 v3, $0x3;
	v8 =	vand.u32 $0x3FF8, v10;
	v3 =	vshrl.u32 v3, $0xB  }
0x2e: {  	[tilespmem:s26+$0x90] =	vst v4;
	v4 =	vor.u32 v14, v9;
	v9 =	vand.u32 $0x7, v12;
	v2 =	vor.u32 v2, v8  }
0x2f: {  	s28 =	simm.s32 $0xC8;
	v22 =	vld [tilespmem:s26+$0x10];
	v8 =	vshll.u32 v16, $0x3;
	[tilespmem:s26+$0x40] =	vst v4;
	v4 =	vand.u32 $0x7, v18;
	v1 =	vor.u32 v9, v1  }
0x30: {  	v7 =	vand.u32 $0x3FF8, v7;
	v3 =	vand.u32 $0x7, v3;
	v2 =	vor.u32 v4, v2;
	v4 =	vld [tilespmem:s28+$0x90];
	[tilespmem:s26+$0xA0] =	vst v1  }
0x31: {  	v7 =	vor.u32 v20, v7;
	v1 =	vand.u32 $0x3FF8, v8;
	[tilespmem:s26+$0x80] =	vst v2;
	v2 =	vshrl.u32 v16, $0xB  }
0x32: {  	v3 =	vor.u32 v3, v7;
	v1 =	vor.u32 v55, v1;
	v2 =	vand.u32 $0x7, v2  }
0x33: {  	v7 =	vand.u32 $0xFFFFC000, v23;
	v8 =	vld [tilespmem:s28+$0xA0];
	[tilespmem:s26+$0x70] =	vst v3;
	v3 =	vand.u32 $0x7, v17;
	v1 =	vor.u32 v2, v1  }
0x34: {  	v2 =	vshll.u32 v22, $0x3;
	v3 =	vor.u32 v3, v6;
	v6 =	vand.u32 $0x3FF8, v15  }
0x35: {  	v10 =	vld [tilespmem:s28+$0x70];
	[tilespmem:s26+$0x0] =	vst v1;
	v1 =	vshrl.u32 v5, $0xB;
	v5 =	vand.u32 $0xFFFFC000, v5;
	v2 =	vand.u32 $0x3FF8, v2  }
0x36: {  	v9 =	vld [tilespmem:s28+$0x50];
	v5 =	vor.u32 v5, v6;
	v1 =	vand.u32 $0x7, v1;
	[tilespmem:s26+$0x60] =	vst v3;
	v3 =	vshrl.u32 v23, $0xB  }
0x37: {  	v6 =	vand.u32 $0x3FF8, v11;
	v1 =	vor.u32 v1, v5;
	v5 =	vshrl.u32 v22, $0xB  }
0x38: {  	v3 =	vand.u32 $0x7, v3;
	v6 =	vor.u32 v7, v6;
	v7 =	vand.u32 $0xFFFFC000, v22  }
0x39: {  	v3 =	vor.u32 v3, v6;
	v5 =	vand.u32 $0x7, v5;
	v2 =	vor.u32 v7, v2  }
0x3a: {  	v11 =	vld [tilespmem:s28+$0x80];
	[tilespmem:s26+$0x20] =	vst v1;
	v14 =	vshrl.u32 v8, $0xB;
	v7 =	vshll.u32 v8, $0x3;
	v25 =	vand.u32 $0xFFFFC000, v8  }
0x3b: {  	v1 =	vld [tilespmem:s28+$0x20];
	[tilespmem:s26+$0x30] =	vst v3;
	v2 =	vor.u32 v5, v2;
	v3 =	vshll.u32 v4, $0x3;
	v5 =	vshrl.u32 v4, $0xB  }
0x3c: {  	v4 =	vand.u32 $0xFFFFC000, v4;
	v60 =	vand.u32 $0xFFFFC000, v10;
	v24 =	vand.u32 $0x3FF8, v7  }
0x3d: {  	v26 =	vshll.u32 v10, $0x3;
	v8 =	vand.u32 $0x7, v14;
	v10 =	vshrl.u32 v10, $0xB  }
0x3e: {  	v6 =	vand.u32 $0x3FF8, v3;
	v13 =	vand.u32 $0x7, v5;
	v14 =	vand.u32 $0x3FF8, v26  }
0x3f: {  	v12 =	vld [tilespmem:s28+$0x60];
	[tilespmem:s26+$0x10] =	vst v2;
	v63 =	vand.u32 $0x7, v10;
	v2 =	vshll.u32 v9, $0x3;
	v16 =	vand.u32 $0xFFFFC000, v9  }
0x40: {  	v9 =	vshrl.u32 v9, $0xB;
	v4 =	vor.u32 v4, v6;
	v22 =	vor.u32 v60, v14  }
0x41: {  	v5 =	vld [tilespmem:s28+$0x40];
	v14 =	vor.u32 v25, v24;
	v3 =	vand.u32 $0x3FF8, v2;
	v15 =	vshll.u32 v11, $0x3  }
0x42: {  	v58 =	vld [tilespmem:s28+$0x0];
	v57 =	vshrl.u32 v11, $0xB;
	v9 =	vand.u32 $0x7, v9;
	v13 =	vor.u32 v13, v4  }
0x43: {  	v11 =	vand.u32 $0xFFFFC000, v11;
	v16 =	vor.u32 v16, v3;
	v15 =	vand.u32 $0x3FF8, v15  }
0x44: {  	[tilespmem:s28+$0x90] =	vst v13;
	v13 =	vor.u32 v63, v22;
	v2 =	vshll.u32 v1, $0x3;
	v16 =	vor.u32 v9, v16  }
0x45: {  	v17 =	vld [tilespmem:s28+$0x10];
	v15 =	vor.u32 v11, v15;
	v56 =	vshrl.u32 v12, $0xB;
	v59 =	vand.u32 $0xFFFFC000, v12  }
0x46: {  	v12 =	vshll.u32 v12, $0x3;
	[tilespmem:s28+$0x50] =	vst v16;
	v16 =	vand.u32 $0x7, v57;
	v61 =	vshll.u32 v5, $0x3  }
0x47: {  	v3 =	vld [tilespmem:s28+$0x30];
	v7 =	vshrl.u32 v5, $0xB;
	v5 =	vand.u32 $0xFFFFC000, v5;
	v6 =	vand.u32 $0xFFFFC000, v58  }
0x48: {  	v11 =	vshll.u32 v58, $0x3;
	v20 =	vshrl.u32 v58, $0xB;
	v18 =	vand.u32 $0x7, v56  }
0x49: {  	v15 =	vor.u32 v16, v15;
	v9 =	vand.u32 $0x3FF8, v61;
	v62 =	vand.u32 $0x7, v7  }
0x4a: {  	v7 =	vshll.u32 v17, $0x3;
	v9 =	vor.u32 v5, v9;
	v5 =	vshrl.u32 v17, $0xB  }
0x4b: {  	v23 =	vor.u32 v62, v9;
	v9 =	vand.u32 $0xFFFFC000, v17;
	v17 =	vand.u32 $0x3FF8, v12  }
0x4c: {  	v11 =	vand.u32 $0x3FF8, v11;
	v4 =	vand.u32 $0xFFFFC000, v3;
	v10 =	vor.u32 v59, v17  }
0x4d: {  	s29 =	simm.s32 $0x640;
	v5 =	vand.u32 $0x7, v5;
	v12 =	vand.u32 $0x7, v20;
	[tilespmem:s28+$0x40] =	vst v23;
	v10 =	vor.u32 v18, v10  }
.LBB2_2:
0x4e: {  	s30 =	sshra.s32 s29, $0x2;
	p0 =	sne.s32 s29, $0x18CE0;
	s29 =	sadd.s32 $0x320, s29;
	v7 =	vand.u32 $0x3FF8, v7;
	v16 =	vshll.u32 v3, $0x3;
	v8 =	vor.u32 v8, v14;
	v14 =	vld [tilespmem:s26+$0xB0]  }
0x4f: {  	v6 =	vor.u32 v6, v11;
	v17 =	vld [tilespmem:s30+$0x90];
	v7 =	vor.u32 v9, v7;
	v9 =	vshrl.u32 v1, $0xB;
	[tilespmem:s28+$0x80] =	vst v15  }
0x50: {  	v3 =	vshrl.u32 v3, $0xB;
	v1 =	vand.u32 $0xFFFFC000, v1;
	v5 =	vor.u32 v5, v7;
	[tilespmem:s28+$0xA0] =	vst v8  }
0x51: {  	v2 =	vand.u32 $0x3FF8, v2;
	v6 =	vor.u32 v12, v6;
	v3 =	vand.u32 $0x7, v3;
	v8 =	vld [tilespmem:s30+$0xA0];
	[tilespmem:s28+$0x70] =	vst v13  }
0x52: {  	v1 =	vor.u32 v1, v2;
	v2 =	vand.u32 $0x7, v9;
	v12 =	vld [tilespmem:s30+$0x70];
	[tilespmem:s28+$0x0] =	vst v6;
	v6 =	vand.u32 $0x3FF8, v16  }
0x53: {  	v1 =	vor.u32 v2, v1;
	v7 =	vld [tilespmem:s30+$0x50];
	v2 =	vor.u32 v4, v6;
	[tilespmem:s28+$0x60] =	vst v10;
	v4 =	vshrl.u32 v14, $0xB  }
0x54: {  	v9 =	vld [tilespmem:s30+$0x80];
	[tilespmem:s28+$0x20] =	vst v1;
	v2 =	vor.u32 v3, v2;
	v3 =	vshll.u32 v14, $0x3;
	v4 =	vand.u32 $0x7, v4  }
0x55: {  	v1 =	vld [tilespmem:s30+$0x20];
	[tilespmem:s28+$0x30] =	vst v2;
	v2 =	vand.u32 $0xFFFFC000, v14;
	v3 =	vand.u32 $0x3FF8, v3  }
0x56: {  	v6 =	vshll.u32 v17, $0x3;
	v11 =	vshrl.u32 v17, $0xB;
	v10 =	vld [tilespmem:s30+$0x60];
	[tilespmem:s28+$0x10] =	vst v5;
	v2 =	vor.u32 v2, v3  }
0x57: {  	v13 =	vand.u32 $0x3FF8, v6;
	v11 =	vand.u32 $0x7, v11;
	v2 =	vor.u32 v4, v2  }
0x58: {  	v14 =	vand.u32 $0xFFFFC000, v17;
	v15 =	vshrl.u32 v8, $0xB;
	v4 =	vld [tilespmem:s30+$0x40];
	v3 =	vshll.u32 v7, $0x3;
	[tilespmem:s26+$0xB0] =	vst v2  }
0x59: {  	v5 =	vshll.u32 v8, $0x3;
	v3 =	vand.u32 $0x3FF8, v3;
	v16 =	vshll.u32 v9, $0x3;
	v17 =	vld [tilespmem:s26+$0xB8]  }
0x5a: {  	v6 =	vand.u32 $0xFFFFC000, v7;
	v7 =	vshrl.u32 v7, $0xB;
	v2 =	vshll.u32 v1, $0x3  }
0x5b: {  	v20 =	vshrl.u32 v9, $0xB;
	v3 =	vor.u32 v6, v3;
	v18 =	vld [tilespmem:s30+$0x10];
	v19 =	vshrl.u32 v10, $0xB  }
0x5c: {  	v23 =	vand.u32 $0xFFFFC000, v12;
	v6 =	vand.u32 $0x7, v7;
	v22 =	vand.u32 $0xFFFFC000, v10;
	v21 =	vld [tilespmem:s30+$0x0]  }
0x5d: {  	v24 =	vand.u32 $0x3FF8, v5;
	v6 =	vor.u32 v6, v3;
	v7 =	vshll.u32 v4, $0x3  }
0x5e: {  	v3 =	vld [tilespmem:s30+$0x30];
	v5 =	vand.u32 $0x3FF8, v7;
	v7 =	vshrl.u32 v4, $0xB;
	[tilespmem:s30+$0x50] =	vst v6;
	v25 =	vshll.u32 v17, $0x3  }
0x5f: {  	v4 =	vand.u32 $0xFFFFC000, v4;
	v27 =	vshrl.u32 v17, $0xB;
	v26 =	vand.u32 $0x7, v7  }
0x60: {  	v29 =	vor.u32 v4, v5;
	v7 =	vshll.u32 v18, $0x3;
	v28 =	vshrl.u32 v18, $0xB  }
0x61: {  	v6 =	vand.u32 $0xFFFFC000, v21;
	v5 =	vand.u32 $0x7, v28;
	v28 =	vand.u32 $0xFFFFC000, v17  }
0x62: {  	v13 =	vor.u32 v14, v13;
	v14 =	vand.u32 $0xFFFFC000, v8;
	v27 =	vand.u32 $0x7, v27  }
0x63: {  	v8 =	vor.u32 v11, v13;
	v30 =	vand.u32 $0xFFFFC000, v9;
	v4 =	vand.u32 $0xFFFFC000, v3  }
0x64: {  	v13 =	vshll.u32 v12, $0x3;
	v11 =	vand.u32 $0x3FF8, v16;
	[tilespmem:s30+$0x90] =	vst v8;
	v8 =	vand.u32 $0x7, v15  }
0x65: {  	v16 =	vshrl.u32 v21, $0xB;
	v15 =	vshll.u32 v21, $0x3;
	v21 =	vand.u32 $0x3FF8, v25  }
0x66: {  	v9 =	vand.u32 $0xFFFFC000, v18;
	v18 =	vor.u32 v26, v29;
	v25 =	vor.u32 v30, v11  }
0x67: {  	v13 =	vand.u32 $0x3FF8, v13;
	v11 =	vand.u32 $0x3FF8, v15;
	v15 =	vor.u32 v28, v21;
	[tilespmem:s30+$0x40] =	vst v18  }
.Ltmp0:
0x68: {  	v12 =	vshrl.u32 v12, $0xB;
	v10 =	vshll.u32 v10, $0x3;
	v15 =	vor.u32 v27, v15;
	(pc) =	sbr.rel @p0 .LBB2_2-.Ltmp0, $4  }
0x69: {  	v13 =	vor.u32 v23, v13;
	v10 =	vand.u32 $0x3FF8, v10;
	v18 =	vand.u32 $0x7, v20  }
0x6a: {  	v14 =	vor.u32 v14, v24;
	v19 =	vand.u32 $0x7, v19;
	v20 =	vand.u32 $0x7, v12  }
0x6b: {  	v10 =	vor.u32 v22, v10;
	v12 =	vand.u32 $0x7, v16;
	v16 =	vsel vm0, v17, v15  }
0x6c: {  	v10 =	vor.u32 v19, v10;
	v13 =	vor.u32 v20, v13;
	v15 =	vor.u32 v18, v25;
	[tilespmem:s26+$0xB8] =	vst v16;
	s26 =	smov.u32 s28;
	s28 =	smov.u32 s30  }
0x6d: {  	v7 =	vand.u32 $0x3FF8, v7;
	v16 =	vshll.u32 v3, $0x3;
	v8 =	vor.u32 v8, v14;
	v57 =	vld [tilespmem:s26+$0xB0]  }
0x6e: {  	v6 =	vor.u32 v6, v11;
	v58 =	vshrl.u32 v1, $0xB;
	[tilespmem:s28+$0x80] =	vst v15;
	v1 =	vand.u32 $0xFFFFC000, v1  }
0x6f: {  	v3 =	vshrl.u32 v3, $0xB;
	v2 =	vand.u32 $0x3FF8, v2;
	[tilespmem:s28+$0x70] =	vst v13;
	v7 =	vor.u32 v9, v7  }
0x70: {  	[tilespmem:s28+$0x60] =	vst v10;
	v1 =	vor.u32 v1, v2;
	v2 =	vand.u32 $0x7, v58;
	v59 =	vand.u32 $0x3FF8, v16  }
0x71: {  	[tilespmem:s28+$0xA0] =	vst v8;
	v3 =	vand.u32 $0x7, v3;
	v1 =	vor.u32 v2, v1;
	v2 =	vor.u32 v4, v59  }
0x72: {  	v6 =	vor.u32 v12, v6;
	[tilespmem:s28+$0x20] =	vst v1;
	v1 =	vor.u32 v3, v2;
	v61 =	vshll.u32 v57, $0x3  }
0x73: {  	[tilespmem:s28+$0x0] =	vst v6;
	v60 =	vshrl.u32 v57, $0xB;
	v2 =	vand.u32 $0xFFFFC000, v57;
	v3 =	vand.u32 $0x3FF8, v61  }
0x74: {  	v5 =	vor.u32 v5, v7;
	[tilespmem:s28+$0x30] =	vst v1;
	v4 =	vand.u32 $0x7, v60;
	v1 =	vor.u32 v2, v3  }
0x75: {  	[tilespmem:s28+$0x10] =	vst v5;
	v1 =	vor.u32 v4, v1  }
0x76: {  	[tilespmem:s26+$0xB0] =	vst v1  }
0x77: {  	v1 =	vld [tilespmem:s26+$0xB8];
	_ =	sdelay $0x4  }
0x78: {  	v2 =	vshll.u32 v1, $0x3  }
0x79: {  	v3 =	vshrl.u32 v1, $0xB;
	v62 =	vand.u32 $0xFFFFC000, v1;
	v2 =	vand.u32 $0x3FF8, v2  }
0x7a: {  	v3 =	vand.u32 $0x7, v3;
	v2 =	vor.u32 v62, v2  }
0x7b: {  	v2 =	vor.u32 v3, v2  }
0x7c: {  	v1 =	vsel vm0, v1, v2  }
0x7d: {  	[tilespmem:s26+$0xB8] =	vst v1  }
0x7e: {  	v1 =	vld [tilespmem:s28+$0xB0];
	_ =	sdelay $0x4  }
0x7f: {  	v2 =	vshll.u32 v1, $0x3  }
0x80: {  	v3 =	vshrl.u32 v1, $0xB;
	v1 =	vand.u32 $0xFFFFC000, v1;
	v2 =	vand.u32 $0x3FF8, v2  }
0x81: {  	v3 =	vand.u32 $0x7, v3;
	v1 =	vor.u32 v1, v2  }
0x82: {  	v1 =	vor.u32 v3, v1  }
0x83: {  	[tilespmem:s28+$0xB0] =	vst v1  }
0x84: {  	v1 =	vld [tilespmem:s28+$0xB8];
	_ =	sdelay $0x4  }
0x85: {  	v2 =	vshll.u32 v1, $0x3  }
0x86: {  	v3 =	vshrl.u32 v1, $0xB;
	v63 =	vand.u32 $0xFFFFC000, v1;
	v2 =	vand.u32 $0x3FF8, v2  }
0x87: {  	v3 =	vand.u32 $0x7, v3;
	v2 =	vor.u32 v63, v2  }
0x88: {  	v2 =	vor.u32 v3, v2  }
0x89: {  	v1 =	vsel vm0, v1, v2  }
0x8a: {  	s0 =	simm.s32 $0x6400;
	s26 =	simm.s32 $0x0;
	[tilespmem:s28+$0xB8] =	vst v1  }
0x8b: {  	[tilespmem:s0], [sflag:$0x1] =	stream.indirect.gather [hbm4b:s4+s10], $0x10, s26, s10, $0xb8;
	[tilespmem:$0x9E10] =	vst v63  }
0x8c: {  	s28 =	simm.s32 $0x6680  }
0x8d: {  	[tilespmem:s28], [sflag:$0x1] =	stream.indirect.gather [hbm4b:s4+s10], $0x10, s10, s10, $0xb8;
	[tilespmem:$0x9E10] =	vst v63  }
0x8e: {  	s29 =	simm.s32 $0x50;
	s1 =	simm.s32 $0x6900  }
0x8f: {  	[tilespmem:s1], [sflag:$0x1] =	stream.indirect.gather [hbm4b:s4+s10], $0x10, s29, s10, $0xb8;
	[tilespmem:$0x9E10] =	vst v63  }
0x90: {  	s30 =	simm.s32 $0x78;
	s31 =	simm.s32 $0x6B80  }
0x91: {  	[tilespmem:s31], [sflag:$0x1] =	stream.indirect.gather [hbm4b:s4+s10], $0x10, s30, s10, $0xb8;
	[tilespmem:$0x9E10] =	vst v63  }
0x92: {  	s28 =	simm.s32 $0xA0;
	s29 =	simm.s32 $0x6E00  }
0x93: {  	[tilespmem:s29], [sflag:$0x1] =	stream.indirect.gather [hbm4b:s4+s10], $0x10, s28, s10, $0xb8;
	[tilespmem:$0x9E10] =	vst v63  }
0x94: {  	s30 =	simm.s32 $0xC8;
	s31 =	simm.s32 $0x7080  }
0x95: {  	[tilespmem:s31], [sflag:$0x2] =	stream.indirect.gather [hbm4b:s4+s10], $0x10, s30, s10, $0xb8;
	[tilespmem:$0x9E10] =	vst v63  }
0x96: {  	s28 =	simm.s32 $0xF0;
	s29 =	simm.s32 $0x7300  }
0x97: {  	[tilespmem:s29], [sflag:$0x2] =	stream.indirect.gather [hbm4b:s4+s10], $0x10, s28, s10, $0xb8;
	[tilespmem:$0x9E10] =	vst v63  }
0x98: {  	s30 =	simm.s32 $0x118;
	s31 =	simm.s32 $0x7580  }
0x99: {  	[tilespmem:s31], [sflag:$0x2] =	stream.indirect.gather [hbm4b:s4+s10], $0x10, s30, s10, $0xb8;
	[tilespmem:$0x9E10] =	vst v63  }
0x9a: {  	s28 =	simm.s32 $0x140;
	s29 =	simm.s32 $0x7800  }
0x9b: {  	[tilespmem:s29], [sflag:$0x2] =	stream.indirect.gather [hbm4b:s4+s10], $0x10, s28, s10, $0xb8;
	[tilespmem:$0x9E10] =	vst v63  }
0x9c: {  	s30 =	simm.s32 $0x168;
	s31 =	simm.s32 $0x7A80  }
0x9d: {  	[tilespmem:s31], [sflag:$0x2] =	stream.indirect.gather [hbm4b:s4+s10], $0x10, s30, s10, $0xb8;
	[tilespmem:$0x9E10] =	vst v63  }
0x9e: {  	s28 =	simm.s32 $0x190;
	s29 =	simm.s32 $0x7D00  }
0x9f: {  	[tilespmem:s29], [sflag:$0x3] =	stream.indirect.gather [hbm4b:s4+s10], $0x10, s28, s10, $0xb8;
	[tilespmem:$0x9E10] =	vst v63  }
0xa0: {  	s30 =	simm.s32 $0x1B8;
	s31 =	simm.s32 $0x7F80  }
0xa1: {  	[tilespmem:s31], [sflag:$0x3] =	stream.indirect.gather [hbm4b:s4+s10], $0x10, s30, s10, $0xb8;
	[tilespmem:$0x9E10] =	vst v63  }
0xa2: {  	_ = 	snop  }
0xa3: {  	[tilespmem:s8], [sflag:$0x3] =	stream.indirect.gather [hbm4b:s4+s10], $0x10, s2, s10, $0xb8;
	[tilespmem:$0x9E10] =	vst v63  }
0xa4: {  	_ = 	snop  }
0xa5: {  	[tilespmem:s12], [sflag:$0x3] =	stream.indirect.gather [hbm4b:s4+s10], $0x10, s11, s10, $0xb8;
	[tilespmem:$0x9E10] =	vst v63  }
0xa6: {  	_ = 	snop  }
0xa7: {  	[tilespmem:s14], [sflag:$0x3] =	stream.indirect.gather [hbm4b:s4+s10], $0x10, s13, s10, $0xb8;
	[tilespmem:$0x9E10] =	vst v63  }
.LBB2_4:
0xa8: {  	s28 =	sshllo.u32 s26, $0x2  }
0xa9: {  	s1 =	smul.u32 $0x320, s28;
	_ =	sdelay $0x1  }
0xaa: {  	s1 =	sshra.s32 s1, $0x2  }
0xab: {  	[tilespmem:s15], [sflag:$0x4] =	stream.indirect.gather [hbm4b:s4+s10], $0x10, s1, s10, $0xb8;
	[tilespmem:$0x9E10] =	vst v63  }
0xac: {  	s29 =	sadd.s32 $0x28, s1  }
0xad: {  	[tilespmem:s16], [sflag:$0x4] =	stream.indirect.gather [hbm4b:s4+s10], $0x10, s29, s10, $0xb8;
	[tilespmem:$0x9E10] =	vst v63  }
0xae: {  	s29 =	sadd.s32 $0x50, s1  }
0xaf: {  	[tilespmem:s17], [sflag:$0x4] =	stream.indirect.gather [hbm4b:s4+s10], $0x10, s29, s10, $0xb8;
	[tilespmem:$0x9E10] =	vst v63  }
0xb0: {  	s29 =	sadd.s32 $0x78, s1  }
0xb1: {  	[tilespmem:s18], [sflag:$0x4] =	stream.indirect.gather [hbm4b:s4+s10], $0x10, s29, s10, $0xb8;
	[tilespmem:$0x9E10] =	vst v63  }
0xb2: {  	s1 =	sadd.s32 $0xA0, s1  }
0xb3: {  	[tilespmem:s19], [sflag:$0x4] =	stream.indirect.gather [hbm4b:s4+s10], $0x10, s1, s10, $0xb8;
	[tilespmem:$0x9E10] =	vst v63  }
0xb4: {  	_ =	swait.ge [sflag:s20], $0xC80  }
0xb5: {  	[sflag:s20] =	ssyncset.done $0x0  }
0xb6: {  	s31 =	simm.s32 $0x6440;
	[sflag:s20] =	ssyncadd.s32 $0xFFFFF380  }
0xb7: {  	v1 =	vld [tilespmem:s31+$0xFFFFFFC0];
	_ =	sdelay $0x1  }
0xb8: {  	v2 =	vld [tilespmem:s31+$0xFFFFFFD0];
	_ =	sdelay $0x1  }
0xb9: {  	v3 =	vimm.f32 $0.0e+00;
	v4 =	vld [tilespmem:s31+$0xFFFFFFE0]  }
0xba: {  	v1 =	vadd.f32 v1, v3  }
0xbb: {  	v3 =	vld [tilespmem:s31+$0xFFFFFFF0]  }
0xbc: {  	v1 =	vadd.f32 v2, v1  }
0xbd: {  	v2 =	vld [tilespmem:s31+$0x0]  }
0xbe: {  	v1 =	vadd.f32 v4, v1;
	_ =	sdelay $0x1  }
0xbf: {  	v4 =	vld [tilespmem:s31+$0x10];
	v1 =	vadd.f32 v3, v1;
	_ =	sdelay $0x1  }
0xc0: {  	v3 =	vadd.f32 v2, v1;
	v1 =	vld [tilespmem:s31+$0x20];
	_ =	sdelay $0x1  }
0xc1: {  	v2 =	vld [tilespmem:s31+$0x30]  }
0xc2: {  	s30 =	simm.s32 $0x64C0;
	s29 =	simm.s32 $0x0;
	v3 =	vadd.f32 v4, v3  }
.LBB2_5:
0xc3: {  	v4 =	vld [tilespmem:s30+$0xFFFFFFC0];
	s29 =	sadd.s32 $0x8, s29  }
0xc4: {  	p0 =	slt.u32 s29, $0xC0;
	v1 =	vadd.f32 v1, v3  }
0xc5: {  	v3 =	vld [tilespmem:s30+$0xFFFFFFD0]  }
0xc6: {  	v1 =	vadd.f32 v2, v1  }
0xc7: {  	v2 =	vld [tilespmem:s30+$0xFFFFFFE0]  }
0xc8: {  	v1 =	vadd.f32 v4, v1  }
0xc9: {  	v4 =	vld [tilespmem:s30+$0xFFFFFFF0]  }
0xca: {  	v1 =	vadd.f32 v3, v1  }
0xcb: {  	v3 =	vld [tilespmem:s30+$0x0]  }
0xcc: {  	v1 =	vadd.f32 v2, v1  }
0xcd: {  	v5 =	vld [tilespmem:s30+$0x10]  }
.Ltmp1:
0xce: {  	v2 =	vadd.f32 v4, v1;
	(pc) =	sbr.rel @p0 .LBB2_5-.Ltmp1, $4  }
0xcf: {  	v1 =	vld [tilespmem:s30+$0x20]  }
0xd0: {  	v3 =	vadd.f32 v3, v2  }
0xd1: {  	v2 =	vld [tilespmem:s30+$0x30]  }
0xd2: {  	s30 =	sadd.s32 $0x80, s30;
	v3 =	vadd.f32 v5, v3  }
0xd3: {  	_ = 	snop  }
0xd4: {  	v1 =	vadd.f32 v1, v3;
	_ =	sdelay $0x1  }
0xd5: {  	p0 =	seq.s32 s26, $0x1F;
	v1 =	vadd.f32 v2, v1  }
0xd6: {  	s1 =	smul.u32 @!p0 $0xC80, s26  }
0xd7: {  	s29 =	sshll.u32 s26, $0x6;
	v1 =	vadd.f32 v1, v0  }
0xd8: {  	s30 =	sand.u32 $0x3FFFFFC0, s29;
	s29 =	sshra.s32 @!p0 s1, $0x2  }
0xd9: {  	s31 =	simm.s32 @!p0 $0x28;
	s0 =	simm.s32 @!p0 $0x6400;
	s1 =	sadd.s32 @!p0 $0x320, s29;
	[tilespmem:s30+$0x9600] =	vst v1  }
0xda: {  	[tilespmem:s0], [sflag:$0x1] =	stream.indirect.gather @!p0 [hbm4b:s4+s31], $0x10, s1, s31, $0xb8;
	[tilespmem:$0x9E10] =	vst v63  }
0xdb: {  	s0 =	sadd.s32 @!p0 $0x348, s29;
	s1 =	simm.s32 @!p0 $0x6680  }
0xdc: {  	[tilespmem:s1], [sflag:$0x1] =	stream.indirect.gather @!p0 [hbm4b:s4+s31], $0x10, s0, s31, $0xb8;
	[tilespmem:$0x9E10] =	vst v63  }
0xdd: {  	s0 =	sadd.s32 @!p0 $0x370, s29;
	s1 =	simm.s32 @!p0 $0x6900  }
0xde: {  	[tilespmem:s1], [sflag:$0x1] =	stream.indirect.gather @!p0 [hbm4b:s4+s31], $0x10, s0, s31, $0xb8;
	[tilespmem:$0x9E10] =	vst v63  }
0xdf: {  	s0 =	sadd.s32 @!p0 $0x398, s29;
	s1 =	simm.s32 @!p0 $0x6B80  }
0xe0: {  	[tilespmem:s1], [sflag:$0x1] =	stream.indirect.gather @!p0 [hbm4b:s4+s31], $0x10, s0, s31, $0xb8;
	[tilespmem:$0x9E10] =	vst v63  }
0xe1: {  	s0 =	sadd.s32 @!p0 $0x3C0, s29;
	s1 =	simm.s32 @!p0 $0x6E00  }
0xe2: {  	[tilespmem:s1], [sflag:$0x1] =	stream.indirect.gather @!p0 [hbm4b:s4+s31], $0x10, s0, s31, $0xb8;
	[tilespmem:$0x9E10] =	vst v63  }
0xe3: {  	_ =	swait.ge [sflag:s21], $0xC80  }
0xe4: {  	[sflag:s21] =	ssyncset.done $0x0  }
0xe5: {  	s1 =	simm.s32 $0x70C0;
	[sflag:s21] =	ssyncadd.s32 $0xFFFFF380  }
0xe6: {  	v1 =	vld [tilespmem:s1+$0xFFFFFFC0];
	_ =	sdelay $0x1  }
0xe7: {  	v2 =	vld [tilespmem:s1+$0xFFFFFFD0];
	_ =	sdelay $0x1  }
0xe8: {  	v3 =	vimm.f32 $0.0e+00;
	v4 =	vld [tilespmem:s1+$0xFFFFFFE0]  }
0xe9: {  	v1 =	vadd.f32 v1, v3  }
0xea: {  	v3 =	vld [tilespmem:s1+$0xFFFFFFF0]  }
0xeb: {  	v1 =	vadd.f32 v2, v1  }
0xec: {  	v2 =	vld [tilespmem:s1+$0x0]  }
0xed: {  	v1 =	vadd.f32 v4, v1;
	_ =	sdelay $0x1  }
0xee: {  	v4 =	vld [tilespmem:s1+$0x10];
	v1 =	vadd.f32 v3, v1;
	_ =	sdelay $0x1  }
0xef: {  	v3 =	vadd.f32 v2, v1;
	v1 =	vld [tilespmem:s1+$0x20];
	_ =	sdelay $0x1  }
0xf0: {  	v2 =	vld [tilespmem:s1+$0x30]  }
0xf1: {  	s31 =	simm.s32 $0x0;
	s1 =	simm.s32 $0x7140;
	v3 =	vadd.f32 v4, v3  }
.LBB2_7:
0xf2: {  	v4 =	vld [tilespmem:s1+$0xFFFFFFC0];
	s31 =	sadd.s32 $0x8, s31  }
0xf3: {  	p1 =	slt.u32 s31, $0xC0;
	v1 =	vadd.f32 v1, v3  }
0xf4: {  	v3 =	vld [tilespmem:s1+$0xFFFFFFD0]  }
0xf5: {  	v1 =	vadd.f32 v2, v1  }
0xf6: {  	v2 =	vld [tilespmem:s1+$0xFFFFFFE0]  }
0xf7: {  	v1 =	vadd.f32 v4, v1  }
0xf8: {  	v4 =	vld [tilespmem:s1+$0xFFFFFFF0]  }
0xf9: {  	v1 =	vadd.f32 v3, v1  }
0xfa: {  	v3 =	vld [tilespmem:s1+$0x0]  }
0xfb: {  	v1 =	vadd.f32 v2, v1  }
0xfc: {  	v5 =	vld [tilespmem:s1+$0x10]  }
.Ltmp2:
0xfd: {  	v2 =	vadd.f32 v4, v1;
	(pc) =	sbr.rel @p1 .LBB2_7-.Ltmp2, $4  }
0xfe: {  	v1 =	vld [tilespmem:s1+$0x20]  }
0xff: {  	v3 =	vadd.f32 v3, v2  }
0x100: {  	v2 =	vld [tilespmem:s1+$0x30]  }
0x101: {  	s1 =	sadd.s32 $0x80, s1;
	v3 =	vadd.f32 v5, v3  }
0x102: {  	_ = 	snop  }
0x103: {  	v1 =	vadd.f32 v1, v3;
	_ =	sdelay $0x1  }
0x104: {  	v1 =	vadd.f32 v2, v1;
	_ =	sdelay $0x1  }
0x105: {  	v1 =	vadd.f32 v1, v0;
	_ =	sdelay $0x1  }
0x106: {  	s0 =	sadd.s32 @!p0 $0x3E8, s29;
	s1 =	simm.s32 @!p0 $0x28;
	s31 =	simm.s32 @!p0 $0x7080;
	[tilespmem:s30+$0x9610] =	vst v1  }
0x107: {  	[tilespmem:s31], [sflag:$0x2] =	stream.indirect.gather @!p0 [hbm4b:s4+s1], $0x10, s0, s1, $0xb8;
	[tilespmem:$0x9E10] =	vst v63  }
0x108: {  	s0 =	sadd.s32 @!p0 $0x410, s29;
	s31 =	simm.s32 @!p0 $0x7300  }
0x109: {  	[tilespmem:s31], [sflag:$0x2] =	stream.indirect.gather @!p0 [hbm4b:s4+s1], $0x10, s0, s1, $0xb8;
	[tilespmem:$0x9E10] =	vst v63  }
0x10a: {  	s0 =	sadd.s32 @!p0 $0x438, s29;
	s31 =	simm.s32 @!p0 $0x7580  }
0x10b: {  	[tilespmem:s31], [sflag:$0x2] =	stream.indirect.gather @!p0 [hbm4b:s4+s1], $0x10, s0, s1, $0xb8;
	[tilespmem:$0x9E10] =	vst v63  }
0x10c: {  	s0 =	sadd.s32 @!p0 $0x460, s29;
	s31 =	simm.s32 @!p0 $0x7800  }
0x10d: {  	[tilespmem:s31], [sflag:$0x2] =	stream.indirect.gather @!p0 [hbm4b:s4+s1], $0x10, s0, s1, $0xb8;
	[tilespmem:$0x9E10] =	vst v63  }
0x10e: {  	s0 =	sadd.s32 @!p0 $0x488, s29;
	s31 =	simm.s32 @!p0 $0x7A80  }
0x10f: {  	[tilespmem:s31], [sflag:$0x2] =	stream.indirect.gather @!p0 [hbm4b:s4+s1], $0x10, s0, s1, $0xb8;
	[tilespmem:$0x9E10] =	vst v63  }
0x110: {  	_ =	swait.ge [sflag:s22], $0xC80  }
0x111: {  	[sflag:s22] =	ssyncset.done $0x0  }
0x112: {  	s1 =	simm.s32 $0x7D40;
	[sflag:s22] =	ssyncadd.s32 $0xFFFFF380  }
0x113: {  	v1 =	vld [tilespmem:s1+$0xFFFFFFC0];
	_ =	sdelay $0x1  }
0x114: {  	v2 =	vld [tilespmem:s1+$0xFFFFFFD0];
	_ =	sdelay $0x1  }
0x115: {  	v3 =	vimm.f32 $0.0e+00;
	v4 =	vld [tilespmem:s1+$0xFFFFFFE0]  }
0x116: {  	v1 =	vadd.f32 v1, v3  }
0x117: {  	v3 =	vld [tilespmem:s1+$0xFFFFFFF0]  }
0x118: {  	v1 =	vadd.f32 v2, v1  }
0x119: {  	v2 =	vld [tilespmem:s1+$0x0]  }
0x11a: {  	v1 =	vadd.f32 v4, v1;
	_ =	sdelay $0x1  }
0x11b: {  	v4 =	vld [tilespmem:s1+$0x10];
	v1 =	vadd.f32 v3, v1;
	_ =	sdelay $0x1  }
0x11c: {  	v3 =	vadd.f32 v2, v1;
	v1 =	vld [tilespmem:s1+$0x20];
	_ =	sdelay $0x1  }
0x11d: {  	v2 =	vld [tilespmem:s1+$0x30]  }
0x11e: {  	s31 =	simm.s32 $0x0;
	s1 =	simm.s32 $0x7DC0;
	v3 =	vadd.f32 v4, v3  }
.LBB2_9:
0x11f: {  	v4 =	vld [tilespmem:s1+$0xFFFFFFC0];
	s31 =	sadd.s32 $0x8, s31  }
0x120: {  	p1 =	slt.u32 s31, $0xC0;
	v1 =	vadd.f32 v1, v3  }
0x121: {  	v3 =	vld [tilespmem:s1+$0xFFFFFFD0]  }
0x122: {  	v1 =	vadd.f32 v2, v1  }
0x123: {  	v2 =	vld [tilespmem:s1+$0xFFFFFFE0]  }
0x124: {  	v1 =	vadd.f32 v4, v1  }
0x125: {  	v4 =	vld [tilespmem:s1+$0xFFFFFFF0]  }
0x126: {  	v1 =	vadd.f32 v3, v1  }
0x127: {  	v3 =	vld [tilespmem:s1+$0x0]  }
0x128: {  	v1 =	vadd.f32 v2, v1  }
0x129: {  	v5 =	vld [tilespmem:s1+$0x10]  }
.Ltmp3:
0x12a: {  	v2 =	vadd.f32 v4, v1;
	(pc) =	sbr.rel @p1 .LBB2_9-.Ltmp3, $4  }
0x12b: {  	v1 =	vld [tilespmem:s1+$0x20]  }
0x12c: {  	v3 =	vadd.f32 v3, v2  }
0x12d: {  	v2 =	vld [tilespmem:s1+$0x30]  }
0x12e: {  	s1 =	sadd.s32 $0x80, s1;
	v3 =	vadd.f32 v5, v3  }
0x12f: {  	_ = 	snop  }
0x130: {  	v1 =	vadd.f32 v1, v3;
	_ =	sdelay $0x1  }
0x131: {  	v1 =	vadd.f32 v2, v1;
	_ =	sdelay $0x1  }
0x132: {  	v1 =	vadd.f32 v1, v0;
	_ =	sdelay $0x1  }
0x133: {  	s0 =	sadd.s32 @!p0 $0x4B0, s29;
	s1 =	simm.s32 @!p0 $0x28;
	[tilespmem:s30+$0x9620] =	vst v1;
	s30 =	simm.s32 @!p0 $0x7D00  }
0x134: {  	[tilespmem:s30], [sflag:$0x3] =	stream.indirect.gather @!p0 [hbm4b:s4+s1], $0x10, s0, s1, $0xb8;
	[tilespmem:$0x9E10] =	vst v63  }
0x135: {  	s0 =	sadd.s32 @!p0 $0x4D8, s29;
	s30 =	simm.s32 @!p0 $0x7F80  }
0x136: {  	[tilespmem:s30], [sflag:$0x3] =	stream.indirect.gather @!p0 [hbm4b:s4+s1], $0x10, s0, s1, $0xb8;
	[tilespmem:$0x9E10] =	vst v63  }
0x137: {  	s0 =	sadd.s32 @!p0 $0x500, s29;
	s30 =	simm.s32 @!p0 $0x8200  }
0x138: {  	[tilespmem:s30], [sflag:$0x3] =	stream.indirect.gather @!p0 [hbm4b:s4+s1], $0x10, s0, s1, $0xb8;
	[tilespmem:$0x9E10] =	vst v63  }
0x139: {  	s0 =	sadd.s32 @!p0 $0x528, s29;
	s30 =	simm.s32 @!p0 $0x8480  }
0x13a: {  	[tilespmem:s30], [sflag:$0x3] =	stream.indirect.gather @!p0 [hbm4b:s4+s1], $0x10, s0, s1, $0xb8;
	[tilespmem:$0x9E10] =	vst v63  }
0x13b: {  	s0 =	sadd.s32 @!p0 $0x550, s29;
	s29 =	simm.s32 @!p0 $0x8700  }
0x13c: {  	[tilespmem:s29], [sflag:$0x3] =	stream.indirect.gather @!p0 [hbm4b:s4+s1], $0x10, s0, s1, $0xb8;
	[tilespmem:$0x9E10] =	vst v63  }
0x13d: {  	_ =	swait.ge [sflag:s23], $0xC80  }
0x13e: {  	[sflag:s23] =	ssyncset.done $0x0  }
0x13f: {  	s31 =	simm.s32 $0x89C0;
	[sflag:s23] =	ssyncadd.s32 $0xFFFFF380  }
0x140: {  	v1 =	vld [tilespmem:s31+$0xFFFFFFC0];
	_ =	sdelay $0x1  }
0x141: {  	v2 =	vld [tilespmem:s31+$0xFFFFFFD0];
	_ =	sdelay $0x1  }
0x142: {  	v3 =	vimm.f32 $0.0e+00;
	v4 =	vld [tilespmem:s31+$0xFFFFFFE0]  }
0x143: {  	v1 =	vadd.f32 v1, v3  }
0x144: {  	v3 =	vld [tilespmem:s31+$0xFFFFFFF0]  }
0x145: {  	v1 =	vadd.f32 v2, v1  }
0x146: {  	v2 =	vld [tilespmem:s31+$0x0]  }
0x147: {  	v1 =	vadd.f32 v4, v1;
	_ =	sdelay $0x1  }
0x148: {  	v4 =	vld [tilespmem:s31+$0x10];
	v1 =	vadd.f32 v3, v1;
	_ =	sdelay $0x1  }
0x149: {  	v3 =	vadd.f32 v2, v1;
	v1 =	vld [tilespmem:s31+$0x20];
	_ =	sdelay $0x1  }
0x14a: {  	v2 =	vld [tilespmem:s31+$0x30]  }
0x14b: {  	s29 =	simm.s32 $0x0;
	s1 =	simm.s32 $0x8A40;
	v3 =	vadd.f32 v4, v3  }
.LBB2_11:
0x14c: {  	v4 =	vld [tilespmem:s1+$0xFFFFFFC0];
	s29 =	sadd.s32 $0x8, s29  }
0x14d: {  	p0 =	slt.u32 s29, $0xC0;
	v1 =	vadd.f32 v1, v3  }
0x14e: {  	v3 =	vld [tilespmem:s1+$0xFFFFFFD0]  }
0x14f: {  	v1 =	vadd.f32 v2, v1  }
0x150: {  	v2 =	vld [tilespmem:s1+$0xFFFFFFE0]  }
0x151: {  	v1 =	vadd.f32 v4, v1  }
0x152: {  	v4 =	vld [tilespmem:s1+$0xFFFFFFF0]  }
0x153: {  	v1 =	vadd.f32 v3, v1  }
0x154: {  	v3 =	vld [tilespmem:s1+$0x0]  }
0x155: {  	v1 =	vadd.f32 v2, v1  }
0x156: {  	v5 =	vld [tilespmem:s1+$0x10]  }
.Ltmp4:
0x157: {  	v2 =	vadd.f32 v4, v1;
	(pc) =	sbr.rel @p0 .LBB2_11-.Ltmp4, $4  }
0x158: {  	v1 =	vld [tilespmem:s1+$0x20]  }
0x159: {  	v3 =	vadd.f32 v3, v2  }
0x15a: {  	v2 =	vld [tilespmem:s1+$0x30]  }
0x15b: {  	s1 =	sadd.s32 $0x80, s1;
	v3 =	vadd.f32 v5, v3  }
0x15c: {  	_ = 	snop  }
0x15d: {  	s26 =	sadd.s32 $0x1, s26;
	v1 =	vadd.f32 v1, v3  }
0x15e: {  	p0 =	sne.s32 s26, $0x20  }
.Ltmp5:
0x15f: {  	v1 =	vadd.f32 v2, v1;
	(pc) =	sbr.rel @p0 .LBB2_4-.Ltmp5, $4  }
0x160: {  	_ = 	snop  }
0x161: {  	s0 =	sshll.u32 s28, $0x4;
	v1 =	vadd.f32 v1, v0  }
0x162: {  	s0 =	sand.u32 $0x3FFFFFF0, s0  }
0x163: {  	[tilespmem:s0+$0x9600] =	vst v1  }
0x164: {  	s25 =	sadd.s32 $0x1, s25  }
0x165: {  	p0 =	sne.s32 s25, s7  }
.Ltmp6:
0x166: {  	_ = 	snop;
	(pc) =	sbr.rel @p0 .LBB2_1-.Ltmp6, $4  }
0x167: {  	[hbm4b:s6+s3] =	stream.linear.scatter [tilespmem:s24], [sflag:$0x5], $0x800, $0x38;
	[tilespmem:$0x9E10] =	vst v63  }
0x168: {  	_ =	swait.ge [sflag:s9], $0x800  }
0x169: {  	[sflag:s9] =	ssyncset.done $0x0  }
0x16a: {  	[sflag:s9] =	ssyncadd.s32 $0xFFFFF800  }
0x16b: {  	_ =	sfence.sel $0x180000  }
0x16c: {  	[bflag:$0x0] =	sbarrier.arrive $0xFFFF  }
0x16d: {  	_ =	strace $0x90000047  }
0x16e: {  	s0 =	stileid.u32;
	[bflag:$0x2] =	sbarrier.arrive $0xFFFF  }
0x16f: {  	p0 =	sne.s32 s0, $0x0;
	s0 =	rddreg [dreg:$0x3]  }
0x170: {  	s0 =	sadd.s32 @!p0 $0x100000, s0  }
0x171: {  	[sflag:s0] =	ssyncadd.tile.s32 @!p0 $0x1;
	_ =	shalt  }
.Lfunc_end2:
_tile_overlayer_lowered:
.L_overlay_start_2:
0x172: {  	(tag) =	ssettag $0x2  }
0x173: {  	s0 =	rddreg [dreg:$0x0];
	s2 =	stileid.u32  }
0x174: {  	s1 =	rddreg [dreg:$0x1];
	p0 =	sne.s32 s2, $0x0  }
0x175: {  	s3 =	rddreg [dreg:$0x2];
	[bflag:$0x3] =	sbarrier.arrive $0xFFFF;
	s2 =	simm.s32 @!p0 $0x1C05  }
0x176: {  	[timem:s3], [sflag:s2] =	dma.local @!p0 [hbm:s0], s1  }
0x177: {  	s0 =	simm.s32 @!p0 $0x5  }
0x178: {  	_ =	swait.ge @!p0 [sflag:s0], s1  }
0x179: {  	s1 =	ssub.s32 @!p0 $0x0, s1;
	[sflag:s0] =	ssyncset.done @!p0 $0x0  }
0x17a: {  	[sflag:s0] =	ssyncadd.s32 @!p0 s1  }
0x17b: {  	[bflag:$0x3] =	sbarrier.arrive $0xFFFF  }
0x17c: {  	_ =	shalt  }

</sc_bundles>
